<compile_context>
chip_gen: v7x
topology: tpu7x:2x2x1
jax: 0.10.2.dev20260603
libtpu: 0.0.44.dev20260713+nightly
codegen_flags: <defaults>
</compile_context>

<pallas_src>
import functools

import jax
import jax.numpy as jnp
from jax import lax
from jax.experimental import pallas as pl
from jax.experimental.pallas import tpu as pltpu
from jax.experimental.pallas import tpu_sc as plsc

NN = 10000
EE = 320000
NC, NS, LANES = 2, 16, 16
NW = NC * NS

EDGE_CHUNK = 4000


def _sc_segment_max(qT_flat, src, dst, D):
  Dw = D // NW
  n_chunks = EE // EDGE_CHUNK
  n_vec = EDGE_CHUNK // LANES

  mesh = plsc.VectorSubcoreMesh(
      core_axis_name="c", subcore_axis_name="s",
      num_cores=NC, num_subcores=NS)

  def body(q_hbm, src_hbm, dst_hbm, out_hbm, q_v, acc_v, s_v, d_v, chk_v,
           sems):
    wid = lax.axis_index("s") * NC + lax.axis_index("c")
    fbase = wid * (Dw * NN)

    pltpu.sync_copy(q_hbm.at[pl.ds(fbase, Dw * NN)], q_v)

    def zero_body(i, _):
      acc_v[pl.ds(i * LANES, LANES)] = jnp.zeros((LANES,), jnp.float32)
      return 0
    lax.fori_loop(0, (Dw * NN) // LANES, zero_body, 0, unroll=4)

    lane_id = lax.iota(jnp.int32, LANES)

    def start_fetch(c, slot):
      pltpu.make_async_copy(
          src_hbm.at[pl.ds(c * EDGE_CHUNK, EDGE_CHUNK)],
          s_v.at[pl.ds(slot * EDGE_CHUNK, EDGE_CHUNK)], sems.at[slot]).start()
      pltpu.make_async_copy(
          dst_hbm.at[pl.ds(c * EDGE_CHUNK, EDGE_CHUNK)],
          d_v.at[pl.ds(slot * EDGE_CHUNK, EDGE_CHUNK)], sems.at[slot]).start()

    def wait_fetch(slot):
      pltpu.make_async_copy(
          src_hbm.at[pl.ds(0, EDGE_CHUNK)],
          s_v.at[pl.ds(slot * EDGE_CHUNK, EDGE_CHUNK)], sems.at[slot]).wait()
      pltpu.make_async_copy(
          dst_hbm.at[pl.ds(0, EDGE_CHUNK)],
          d_v.at[pl.ds(slot * EDGE_CHUNK, EDGE_CHUNK)], sems.at[slot]).wait()

    start_fetch(0, 0)

    def chunk_body(c, _):
      slot = lax.rem(c, 2)
      pl.when(c + 1 < n_chunks)(lambda: start_fetch(c + 1, 1 - slot))
      wait_fetch(slot)
      ebase = slot * EDGE_CHUNK

      def vec_body(j, _):
        s = s_v[pl.ds(ebase + j * LANES, LANES)]
        d = d_v[pl.ds(ebase + j * LANES, LANES)]
        vals = [plsc.load_gather(q_v, [s if f == 0 else s + f * NN])
                for f in range(Dw)]
        idxs = [d if f == 0 else d + f * NN for f in range(Dw)]

        plsc.store_scatter(chk_v, [d], lane_id)
        uniq = plsc.load_gather(chk_v, [d]) == lane_id
        no_dup = jnp.all(uniq)

        def fast_path():
          for f in range(Dw):
            old = plsc.load_gather(acc_v, [idxs[f]])
            plsc.store_scatter(acc_v, [idxs[f]], jnp.maximum(old, vals[f]))

        def slow_path():
          def upd_cond(carry):
            return jnp.any(carry)

          def upd_body(pend):
            alive = jnp.zeros((LANES,), jnp.bool_)
            for f in range(Dw):
              old = plsc.load_gather(acc_v, [idxs[f]])
              new = jnp.maximum(old, vals[f])
              plsc.store_scatter(acc_v, [idxs[f]], new, mask=pend)
              rb = plsc.load_gather(acc_v, [idxs[f]])
              alive = jnp.logical_or(alive, rb < vals[f])
            return jnp.logical_and(pend, alive)

          lax.while_loop(upd_cond, upd_body, jnp.ones((LANES,), jnp.bool_))

        lax.cond(no_dup, fast_path, slow_path)
        return 0

      lax.fori_loop(0, n_vec, vec_body, 0, unroll=2)
      return 0

    lax.fori_loop(0, n_chunks, chunk_body, 0)

    pltpu.sync_copy(acc_v, out_hbm.at[pl.ds(fbase, Dw * NN)])

  run = pl.kernel(
      body,
      out_type=jax.ShapeDtypeStruct((D * NN,), jnp.float32),
      mesh=mesh,
      compiler_params=pltpu.CompilerParams(
          needs_layout_passes=False, use_tc_tiling_on_sc=False,
          disable_bounds_checks=True),
      scratch_types=[
          pltpu.VMEM((Dw * NN,), jnp.float32),
          pltpu.VMEM((Dw * NN,), jnp.float32),
          pltpu.VMEM((2 * EDGE_CHUNK,), jnp.int32),
          pltpu.VMEM((2 * EDGE_CHUNK,), jnp.int32),
          pltpu.VMEM((NN,), jnp.int32),
          pltpu.SemaphoreType.DMA((2,)),
      ],
  )
  return run(qT_flat, src, dst)


def _tc_pool_body(x_ref, w_ref, b_ref, o_ref):
  q = lax.dot_general(w_ref[...], x_ref[...], (((0,), (1,)), ((), ())),
                      preferred_element_type=jnp.float32)
  o_ref[...] = jnp.maximum(q + b_ref[...], 0.0)


def _tc_pool(x, W_pool, b_pool):
  D = W_pool.shape[1]
  out = pl.pallas_call(
      _tc_pool_body,
      out_shape=jax.ShapeDtypeStruct((D, NN), jnp.float32),
  )(x, W_pool, b_pool[:, None])
  return out


def _tc_mid_body(h_ref, nT_ref, ws_ref, wn_ref, bias_ref, wp_ref, bp_ref,
                 h_out_ref, qT_out_ref):
  hs = lax.dot_general(h_ref[...], ws_ref[...], (((1,), (0,)), ((), ())),
                       preferred_element_type=jnp.float32)
  hn = lax.dot_general(nT_ref[...], wn_ref[...], (((0,), (0,)), ((), ())),
                       preferred_element_type=jnp.float32)
  h_new = jnp.maximum(hs + hn + bias_ref[...], 0.0)
  h_out_ref[...] = h_new
  q = lax.dot_general(wp_ref[...], h_new, (((0,), (1,)), ((), ())),
                      preferred_element_type=jnp.float32)
  qT_out_ref[...] = jnp.maximum(q + bp_ref[...], 0.0)


def _tc_mid(h, neighT, W_self, W_neigh, bias, W_pool, b_pool):
  dout = W_self.shape[1]
  dq = W_pool.shape[1]
  h_new, qT = pl.pallas_call(
      _tc_mid_body,
      out_shape=(jax.ShapeDtypeStruct((NN, dout), jnp.float32),
                 jax.ShapeDtypeStruct((dq, NN), jnp.float32)),
  )(h, neighT, W_self, W_neigh, bias[None, :], W_pool, b_pool[:, None])
  return h_new, qT


def _tc_final_body(h_ref, nT_ref, ws_ref, wn_ref, bias_ref, o_ref):
  hs = lax.dot_general(h_ref[...], ws_ref[...], (((1,), (0,)), ((), ())),
                       preferred_element_type=jnp.float32)
  hn = lax.dot_general(nT_ref[...], wn_ref[...], (((0,), (0,)), ((), ())),
                       preferred_element_type=jnp.float32)
  z = hs + hn + bias_ref[...]
  o_ref[...] = 1.0 / (1.0 + jnp.exp(-z))


def _tc_final(h, neighT, W_self, W_neigh, bias):
  dout = W_self.shape[1]
  out = pl.pallas_call(
      _tc_final_body,
      out_shape=jax.ShapeDtypeStruct((NN, dout), jnp.float32),
  )(h, neighT, W_self, W_neigh, bias[None, :])
  return out


def kernel(x, edge_index,
           W_pool0, b_pool0, W_self0, W_neigh0, bias0,
           W_pool1, b_pool1, W_self1, W_neigh1, bias1,
           W_pool2, b_pool2, W_self2, W_neigh2, bias2):
  src = edge_index[0].astype(jnp.int32)
  dst = edge_index[1].astype(jnp.int32)

  q0T = _tc_pool(x, W_pool0, b_pool0)
  n0T = _sc_segment_max(q0T.reshape(-1), src, dst, 128)
  h1, q1T = _tc_mid(x, n0T.reshape(128, NN),
                    W_self0, W_neigh0, bias0, W_pool1, b_pool1)
  n1T = _sc_segment_max(q1T.reshape(-1), src, dst, 32)
  h2, q2T = _tc_mid(h1, n1T.reshape(32, NN),
                    W_self1, W_neigh1, bias1, W_pool2, b_pool2)
  n2T = _sc_segment_max(q2T.reshape(-1), src, dst, 32)
  out = _tc_final(h2, n2T.reshape(32, NN), W_self2, W_neigh2, bias2)
  return out

# --- scband reference (transcript-rebuilt; emitter-appended) ---
"""Pipeline reference for scband-interface-classifier-15745350107329 (READ-ONLY COPY).

The authoritative reference and input builder live on the scoring server;
editing this copy changes nothing except your own understanding.
"""

import jax, jax.numpy as jnp
import numpy as np

N = 10000
E = 320000
IN_DIM = 128
HID = 32
OUT = 22


def setup_inputs(seed: int = 0) -> dict:
    key = jax.random.key(seed)
    ks = jax.random.split(key, 16)
    inp = {}
    inp["x"] = jax.random.normal(ks[0], (N, IN_DIM), dtype=jnp.float32)
    inp["edge_index"] = jax.random.randint(ks[1], (2, E), 0, N)
    dims = [(IN_DIM, HID), (HID, HID), (HID, OUT)]
    i = 2
    for l, (din, dout) in enumerate(dims):
        s = 1.0 / np.sqrt(din)
        inp[f"W_pool{l}"] = jax.random.normal(ks[i], (din, din), dtype=jnp.float32) * s; i += 1
        inp[f"b_pool{l}"] = jnp.zeros((din,), dtype=jnp.float32)
        inp[f"W_self{l}"] = jax.random.normal(ks[i], (din, dout), dtype=jnp.float32) * s; i += 1
        inp[f"W_neigh{l}"] = jax.random.normal(ks[i], (din, dout), dtype=jnp.float32) * s; i += 1
        inp[f"bias{l}"] = jnp.zeros((dout,), dtype=jnp.float32)
    return inp


def _sage_pool(h, src, dst, W_pool, b_pool, W_self, W_neigh, bias, n):
    # DGL SAGEConv aggregator_type='pool':
    # message = relu(fc_pool(h_src)); aggregate = elementwise max over incoming edges
    p = jax.nn.relu(h[src] @ W_pool + b_pool)
    neigh = jax.ops.segment_max(p, dst, num_segments=n)
    deg = jax.ops.segment_sum(jnp.ones((dst.shape[0],), dtype=jnp.float32), dst, num_segments=n)
    neigh = jnp.where(deg[:, None] > 0, neigh, 0.0)  # zero for isolated dst nodes
    return h @ W_self + neigh @ W_neigh + bias


def reference(x, edge_index,
              W_pool0, b_pool0, W_self0, W_neigh0, bias0,
              W_pool1, b_pool1, W_self1, W_neigh1, bias1,
              W_pool2, b_pool2, W_self2, W_neigh2, bias2):
    src = edge_index[0]
    dst = edge_index[1]
    n = x.shape[0]
    h = _sage_pool(x, src, dst, W_pool0, b_pool0, W_self0, W_neigh0, bias0, n)
    h = jax.nn.relu(h)  # dropout is identity in eval
    h = _sage_pool(h, src, dst, W_pool1, b_pool1, W_self1, W_neigh1, bias1, n)
    h = jax.nn.relu(h)
    h = _sage_pool(h, src, dst, W_pool2, b_pool2, W_self2, W_neigh2, bias2, n)
    h = jax.nn.sigmoid(h)
    return h.reshape(-1, 22)

if __name__ == "__main__":
    import jax
    _d = setup_inputs()
    print(jax.jit(kernel)(*tuple(_d.values())))

</pallas_src>

<mosaic_0001>
#map = affine_map<(d0, d1) -> (0)>
module attributes {stable_mosaic.version = 14 : i64} {
  func.func @body(%arg0: i32, %arg1: i32, %arg2: memref<1280000xf32, #tpu.memory_space<hbm>>, %arg3: memref<320000xi32, #tpu.memory_space<hbm>>, %arg4: memref<320000xi32, #tpu.memory_space<hbm>>, %arg5: memref<1280000xf32, #tpu.memory_space<hbm>>, %arg6: memref<40000xf32, #tpu.memory_space<vmem>>, %arg7: memref<40000xf32, #tpu.memory_space<vmem>>, %arg8: memref<8000xi32, #tpu.memory_space<vmem>>, %arg9: memref<8000xi32, #tpu.memory_space<vmem>>, %arg10: memref<10000xi32, #tpu.memory_space<vmem>>, %arg11: memref<2x!tpu.dma_semaphore, #tpu.memory_space<semaphore_mem>>) attributes {dimension_semantics = [#tpu.dimension_semantics<core_parallel>, #tpu.dimension_semantics<subcore_parallel>], iteration_bounds = array<i64: 2, 16>, scalar_prefetch = 0 : i64, scratch_operands = 6 : i64, tpu.core_type = #tpu.core_type<sc_vector_subcore>, window_params = [{transform_indices = #map}, {transform_indices = #map}, {transform_indices = #map}, {transform_indices = #map}]} {
    %mul3A = arith.constant 2 : i32
    %mul3A_0 = arith.muli %arg1, %mul3A : i32
    %add3A = arith.addi %mul3A_0, %arg0 : i32
    %mul3A_1 = arith.constant 40000 : i32
    %mul3A_2 = arith.muli %add3A, %mul3A_1 : i32
    "tpu.region"() ({
      %run_scoped3A = tpu.sem_alloc : memref<!tpu.dma_semaphore, #tpu.memory_space<semaphore_mem>>
      %dma_start3A_37 = tpu.memref_slice %arg2[%mul3A_2] : memref<1280000xf32, #tpu.memory_space<hbm>> -> memref<40000xf32, #tpu.memory_space<hbm>>
      %dma_start3A_38 = tpu.memref_slice %arg2[%mul3A_2] : memref<1280000xf32, #tpu.memory_space<hbm>> -> memref<40000xf32, #tpu.memory_space<hbm>>
      tpu.enqueue_dma source(%dma_start3A_38 : memref<40000xf32, #tpu.memory_space<hbm>>) target(%arg6 : memref<40000xf32, #tpu.memory_space<vmem>>) target_semaphore(%run_scoped3A : memref<!tpu.dma_semaphore, #tpu.memory_space<semaphore_mem>>)
      %dma_wait3A = tpu.memref_slice %arg2[%mul3A_2] : memref<1280000xf32, #tpu.memory_space<hbm>> -> memref<40000xf32, #tpu.memory_space<hbm>>
      %dma_wait3A_39 = tpu.memref_slice %arg2[%mul3A_2] : memref<1280000xf32, #tpu.memory_space<hbm>> -> memref<40000xf32, #tpu.memory_space<hbm>>
      tpu.wait_dma2 semaphore(%run_scoped3A : memref<!tpu.dma_semaphore, #tpu.memory_space<semaphore_mem>>) src(%dma_wait3A_39 : memref<40000xf32, #tpu.memory_space<hbm>>) dst(%arg6 : memref<40000xf32, #tpu.memory_space<vmem>>)
      tpu.yield
    }) : () -> ()
    %scan3A = arith.constant 0 : i32
    %scan3A_3 = arith.constant 0 : i32
    %scan3A_4 = arith.constant 2500 : i32
    %scan3A_5 = arith.addi %scan3A_3, %scan3A_4 : i32
    %scan3A_6 = arith.constant 4 : i32
    %scan3A_7 = scf.for %scan3A_37 = %scan3A_3 to %scan3A_5 step %scan3A_6 iter_args(%scan3A_38 = %scan3A) -> (i32)  : i32 {
      %broadcast_in_dim3A = arith.constant 0.000000e+00 : f32
      %broadcast_in_dim3A_39 = vector.broadcast %broadcast_in_dim3A : f32 to vector<16xf32>
      %mul3A_40 = arith.constant 16 : i32
      %mul3A_41 = arith.muli %scan3A_37, %mul3A_40 : i32
      %swap3A = arith.index_cast %mul3A_41 : i32 to index
      %swap3A_42 = tpu.vector_load %arg7[%swap3A] {strides = array<i32>} : memref<40000xf32, #tpu.memory_space<vmem>>, vector<16xf32>,
      tpu.vector_store %arg7[%swap3A], %broadcast_in_dim3A_39 {strides = array<i32>} : memref<40000xf32, #tpu.memory_space<vmem>>, vector<16xf32>,
      %scan3A_43 = arith.constant 0 : i32
      %scan3A_44 = arith.constant 1 : i32
      %scan3A_45 = arith.addi %scan3A_37, %scan3A_44 : i32
      %broadcast_in_dim3A_46 = arith.constant 0.000000e+00 : f32
      %broadcast_in_dim3A_47 = vector.broadcast %broadcast_in_dim3A_46 : f32 to vector<16xf32>
      %mul3A_48 = arith.constant 16 : i32
      %mul3A_49 = arith.muli %scan3A_45, %mul3A_48 : i32
      %swap3A_50 = arith.index_cast %mul3A_49 : i32 to index
      %swap3A_51 = tpu.vector_load %arg7[%swap3A_50] {strides = array<i32>} : memref<40000xf32, #tpu.memory_space<vmem>>, vector<16xf32>,
      tpu.vector_store %arg7[%swap3A_50], %broadcast_in_dim3A_47 {strides = array<i32>} : memref<40000xf32, #tpu.memory_space<vmem>>, vector<16xf32>,
      %scan3A_52 = arith.constant 0 : i32
      %scan3A_53 = arith.constant 2 : i32
      %scan3A_54 = arith.addi %scan3A_37, %scan3A_53 : i32
      %broadcast_in_dim3A_55 = arith.constant 0.000000e+00 : f32
      %broadcast_in_dim3A_56 = vector.broadcast %broadcast_in_dim3A_55 : f32 to vector<16xf32>
      %mul3A_57 = arith.constant 16 : i32
      %mul3A_58 = arith.muli %scan3A_54, %mul3A_57 : i32
      %swap3A_59 = arith.index_cast %mul3A_58 : i32 to index
      %swap3A_60 = tpu.vector_load %arg7[%swap3A_59] {strides = array<i32>} : memref<40000xf32, #tpu.memory_space<vmem>>, vector<16xf32>,
      tpu.vector_store %arg7[%swap3A_59], %broadcast_in_dim3A_56 {strides = array<i32>} : memref<40000xf32, #tpu.memory_space<vmem>>, vector<16xf32>,
      %scan3A_61 = arith.constant 0 : i32
      %scan3A_62 = arith.constant 3 : i32
      %scan3A_63 = arith.addi %scan3A_37, %scan3A_62 : i32
      %broadcast_in_dim3A_64 = arith.constant 0.000000e+00 : f32
      %broadcast_in_dim3A_65 = vector.broadcast %broadcast_in_dim3A_64 : f32 to vector<16xf32>
      %mul3A_66 = arith.constant 16 : i32
      %mul3A_67 = arith.muli %scan3A_63, %mul3A_66 : i32
      %swap3A_68 = arith.index_cast %mul3A_67 : i32 to index
      %swap3A_69 = tpu.vector_load %arg7[%swap3A_68] {strides = array<i32>} : memref<40000xf32, #tpu.memory_space<vmem>>, vector<16xf32>,
      tpu.vector_store %arg7[%swap3A_68], %broadcast_in_dim3A_65 {strides = array<i32>} : memref<40000xf32, #tpu.memory_space<vmem>>, vector<16xf32>,
      %scan3A_70 = arith.constant 0 : i32
      scf.yield %scan3A_70 : i32
    }
    %scan3A_8 = arith.constant 2500 : i32
    %iota3A = tpu.iota {dimensions = array<i32: 0>} : vector<16xi32>
    %dma_start3A = arith.constant 0 : i32
    %dma_start3A_9 = arith.constant 0 : i32
    %dma_start3A_10 = tpu.memref_slice %arg8[%dma_start3A_9] : memref<8000xi32, #tpu.memory_space<vmem>> -> memref<4000xi32, #tpu.memory_space<vmem>>
    %dma_start3A_11 = arith.constant 0 : i32
    %dma_start3A_12 = tpu.memref_slice %arg3[%dma_start3A_11] : memref<320000xi32, #tpu.memory_space<hbm>> -> memref<4000xi32, #tpu.memory_space<hbm>>
    %dma_start3A_13 = tpu.memref_slice %arg11[%dma_start3A] : memref<2x!tpu.dma_semaphore, #tpu.memory_space<semaphore_mem>> -> memref<1x!tpu.dma_semaphore, #tpu.memory_space<semaphore_mem>>
    %dma_start3A_14 = tpu.memref_squeeze %dma_start3A_13 : memref<1x!tpu.dma_semaphore, #tpu.memory_space<semaphore_mem>> -> memref<!tpu.dma_semaphore, #tpu.memory_space<semaphore_mem>>
    %dma_start3A_15 = arith.constant 0 : i32
    %dma_start3A_16 = tpu.memref_slice %arg8[%dma_start3A_15] : memref<8000xi32, #tpu.memory_space<vmem>> -> memref<4000xi32, #tpu.memory_space<vmem>>
    %dma_start3A_17 = arith.constant 0 : i32
    %dma_start3A_18 = tpu.memref_slice %arg3[%dma_start3A_17] : memref<320000xi32, #tpu.memory_space<hbm>> -> memref<4000xi32, #tpu.memory_space<hbm>>
    tpu.enqueue_dma source(%dma_start3A_18 : memref<4000xi32, #tpu.memory_space<hbm>>) target(%dma_start3A_16 : memref<4000xi32, #tpu.memory_space<vmem>>) target_semaphore(%dma_start3A_14 : memref<!tpu.dma_semaphore, #tpu.memory_space<semaphore_mem>>)
    %dma_start3A_19 = arith.constant 0 : i32
    %dma_start3A_20 = arith.constant 0 : i32
    %dma_start3A_21 = tpu.memref_slice %arg9[%dma_start3A_20] : memref<8000xi32, #tpu.memory_space<vmem>> -> memref<4000xi32, #tpu.memory_space<vmem>>
    %dma_start3A_22 = arith.constant 0 : i32
    %dma_start3A_23 = tpu.memref_slice %arg4[%dma_start3A_22] : memref<320000xi32, #tpu.memory_space<hbm>> -> memref<4000xi32, #tpu.memory_space<hbm>>
    %dma_start3A_24 = tpu.memref_slice %arg11[%dma_start3A_19] : memref<2x!tpu.dma_semaphore, #tpu.memory_space<semaphore_mem>> -> memref<1x!tpu.dma_semaphore, #tpu.memory_space<semaphore_mem>>
    %dma_start3A_25 = tpu.memref_squeeze %dma_start3A_24 : memref<1x!tpu.dma_semaphore, #tpu.memory_space<semaphore_mem>> -> memref<!tpu.dma_semaphore, #tpu.memory_space<semaphore_mem>>
    %dma_start3A_26 = arith.constant 0 : i32
    %dma_start3A_27 = tpu.memref_slice %arg9[%dma_start3A_26] : memref<8000xi32, #tpu.memory_space<vmem>> -> memref<4000xi32, #tpu.memory_space<vmem>>
    %dma_start3A_28 = arith.constant 0 : i32
    %dma_start3A_29 = tpu.memref_slice %arg4[%dma_start3A_28] : memref<320000xi32, #tpu.memory_space<hbm>> -> memref<4000xi32, #tpu.memory_space<hbm>>
    tpu.enqueue_dma source(%dma_start3A_29 : memref<4000xi32, #tpu.memory_space<hbm>>) target(%dma_start3A_27 : memref<4000xi32, #tpu.memory_space<vmem>>) target_semaphore(%dma_start3A_25 : memref<!tpu.dma_semaphore, #tpu.memory_space<semaphore_mem>>)
    %scan3A_30 = arith.constant 0 : i32
    %scan3A_31 = arith.constant 0 : i32
    %scan3A_32 = arith.constant 80 : i32
    %scan3A_33 = arith.addi %scan3A_31, %scan3A_32 : i32
    %scan3A_34 = arith.constant 1 : i32
    %scan3A_35 = scf.for %scan3A_37 = %scan3A_31 to %scan3A_33 step %scan3A_34 iter_args(%scan3A_38 = %scan3A_30) -> (i32)  : i32 {
      %rem3A = arith.constant 2 : i32
      %rem3A_39 = arith.remsi %scan3A_37, %rem3A : i32
      %add3A_40 = arith.constant 1 : i32
      %add3A_41 = arith.addi %scan3A_37, %add3A_40 : i32
      %lt3A = arith.constant 80 : i32
      %lt3A_42 = arith.cmpi slt, %add3A_41, %lt3A : i32
      %convert_element_type3A = arith.extui %lt3A_42 : i1 to i32
      %cond3A = arith.constant 0 : i32
      %cond3A_43 = arith.cmpi ne, %convert_element_type3A, %cond3A : i32
      scf.if %cond3A_43 {
        %add3A_73 = arith.constant 1 : i32
        %add3A_74 = arith.addi %scan3A_37, %add3A_73 : i32
        %sub3A = arith.constant 1 : i32
        %sub3A_75 = arith.subi %sub3A, %rem3A_39 : i32
        %mul3A_76 = arith.constant 4000 : i32
        %mul3A_77 = arith.muli %add3A_74, %mul3A_76 : i32
        %mul3A_78 = arith.constant 4000 : i32
        %mul3A_79 = arith.muli %sub3A_75, %mul3A_78 : i32
        %dma_start3A_80 = tpu.memref_slice %arg8[%mul3A_79] : memref<8000xi32, #tpu.memory_space<vmem>> -> memref<4000xi32, #tpu.memory_space<vmem>>
        %dma_start3A_81 = tpu.memref_slice %arg3[%mul3A_77] : memref<320000xi32, #tpu.memory_space<hbm>> -> memref<4000xi32, #tpu.memory_space<hbm>>
        %dma_start3A_82 = tpu.memref_slice %arg11[%sub3A_75] : memref<2x!tpu.dma_semaphore, #tpu.memory_space<semaphore_mem>> -> memref<1x!tpu.dma_semaphore, #tpu.memory_space<semaphore_mem>>
        %dma_start3A_83 = tpu.memref_squeeze %dma_start3A_82 : memref<1x!tpu.dma_semaphore, #tpu.memory_space<semaphore_mem>> -> memref<!tpu.dma_semaphore, #tpu.memory_space<semaphore_mem>>
        %dma_start3A_84 = tpu.memref_slice %arg8[%mul3A_79] : memref<8000xi32, #tpu.memory_space<vmem>> -> memref<4000xi32, #tpu.memory_space<vmem>>
        %dma_start3A_85 = tpu.memref_slice %arg3[%mul3A_77] : memref<320000xi32, #tpu.memory_space<hbm>> -> memref<4000xi32, #tpu.memory_space<hbm>>
        tpu.enqueue_dma source(%dma_start3A_85 : memref<4000xi32, #tpu.memory_space<hbm>>) target(%dma_start3A_84 : memref<4000xi32, #tpu.memory_space<vmem>>) target_semaphore(%dma_start3A_83 : memref<!tpu.dma_semaphore, #tpu.memory_space<semaphore_mem>>)
        %mul3A_86 = arith.constant 4000 : i32
        %mul3A_87 = arith.muli %add3A_74, %mul3A_86 : i32
        %mul3A_88 = arith.constant 4000 : i32
        %mul3A_89 = arith.muli %sub3A_75, %mul3A_88 : i32
        %dma_start3A_90 = tpu.memref_slice %arg9[%mul3A_89] : memref<8000xi32, #tpu.memory_space<vmem>> -> memref<4000xi32, #tpu.memory_space<vmem>>
        %dma_start3A_91 = tpu.memref_slice %arg4[%mul3A_87] : memref<320000xi32, #tpu.memory_space<hbm>> -> memref<4000xi32, #tpu.memory_space<hbm>>
        %dma_start3A_92 = tpu.memref_slice %arg11[%sub3A_75] : memref<2x!tpu.dma_semaphore, #tpu.memory_space<semaphore_mem>> -> memref<1x!tpu.dma_semaphore, #tpu.memory_space<semaphore_mem>>
        %dma_start3A_93 = tpu.memref_squeeze %dma_start3A_92 : memref<1x!tpu.dma_semaphore, #tpu.memory_space<semaphore_mem>> -> memref<!tpu.dma_semaphore, #tpu.memory_space<semaphore_mem>>
        %dma_start3A_94 = tpu.memref_slice %arg9[%mul3A_89] : memref<8000xi32, #tpu.memory_space<vmem>> -> memref<4000xi32, #tpu.memory_space<vmem>>
        %dma_start3A_95 = tpu.memref_slice %arg4[%mul3A_87] : memref<320000xi32, #tpu.memory_space<hbm>> -> memref<4000xi32, #tpu.memory_space<hbm>>
        tpu.enqueue_dma source(%dma_start3A_95 : memref<4000xi32, #tpu.memory_space<hbm>>) target(%dma_start3A_94 : memref<4000xi32, #tpu.memory_space<vmem>>) target_semaphore(%dma_start3A_93 : memref<!tpu.dma_semaphore, #tpu.memory_space<semaphore_mem>>)
      } else {
      }
      %mul3A_44 = arith.constant 4000 : i32
      %mul3A_45 = arith.muli %rem3A_39, %mul3A_44 : i32
      %dma_wait3A = tpu.memref_slice %arg8[%mul3A_45] : memref<8000xi32, #tpu.memory_space<vmem>> -> memref<4000xi32, #tpu.memory_space<vmem>>
      %dma_wait3A_46 = arith.constant 0 : i32
      %dma_wait3A_47 = tpu.memref_slice %arg3[%dma_wait3A_46] : memref<320000xi32, #tpu.memory_space<hbm>> -> memref<4000xi32, #tpu.memory_space<hbm>>
      %dma_wait3A_48 = tpu.memref_slice %arg11[%rem3A_39] : memref<2x!tpu.dma_semaphore, #tpu.memory_space<semaphore_mem>> -> memref<1x!tpu.dma_semaphore, #tpu.memory_space<semaphore_mem>>
      %dma_wait3A_49 = tpu.memref_squeeze %dma_wait3A_48 : memref<1x!tpu.dma_semaphore, #tpu.memory_space<semaphore_mem>> -> memref<!tpu.dma_semaphore, #tpu.memory_space<semaphore_mem>>
      %dma_wait3A_50 = tpu.memref_slice %arg8[%mul3A_45] : memref<8000xi32, #tpu.memory_space<vmem>> -> memref<4000xi32, #tpu.memory_space<vmem>>
      %dma_wait3A_51 = arith.constant 0 : i32
      %dma_wait3A_52 = tpu.memref_slice %arg3[%dma_wait3A_51] : memref<320000xi32, #tpu.memory_space<hbm>> -> memref<4000xi32, #tpu.memory_space<hbm>>
      tpu.wait_dma2 semaphore(%dma_wait3A_49 : memref<!tpu.dma_semaphore, #tpu.memory_space<semaphore_mem>>) src(%dma_wait3A_52 : memref<4000xi32, #tpu.memory_space<hbm>>) dst(%dma_wait3A_50 : memref<4000xi32, #tpu.memory_space<vmem>>)
      %mul3A_53 = arith.constant 4000 : i32
      %mul3A_54 = arith.muli %rem3A_39, %mul3A_53 : i32
      %dma_wait3A_55 = tpu.memref_slice %arg9[%mul3A_54] : memref<8000xi32, #tpu.memory_space<vmem>> -> memref<4000xi32, #tpu.memory_space<vmem>>
      %dma_wait3A_56 = arith.constant 0 : i32
      %dma_wait3A_57 = tpu.memref_slice %arg4[%dma_wait3A_56] : memref<320000xi32, #tpu.memory_space<hbm>> -> memref<4000xi32, #tpu.memory_space<hbm>>
      %dma_wait3A_58 = tpu.memref_slice %arg11[%rem3A_39] : memref<2x!tpu.dma_semaphore, #tpu.memory_space<semaphore_mem>> -> memref<1x!tpu.dma_semaphore, #tpu.memory_space<semaphore_mem>>
      %dma_wait3A_59 = tpu.memref_squeeze %dma_wait3A_58 : memref<1x!tpu.dma_semaphore, #tpu.memory_space<semaphore_mem>> -> memref<!tpu.dma_semaphore, #tpu.memory_space<semaphore_mem>>
      %dma_wait3A_60 = tpu.memref_slice %arg9[%mul3A_54] : memref<8000xi32, #tpu.memory_space<vmem>> -> memref<4000xi32, #tpu.memory_space<vmem>>
      %dma_wait3A_61 = arith.constant 0 : i32
      %dma_wait3A_62 = tpu.memref_slice %arg4[%dma_wait3A_61] : memref<320000xi32, #tpu.memory_space<hbm>> -> memref<4000xi32, #tpu.memory_space<hbm>>
      tpu.wait_dma2 semaphore(%dma_wait3A_59 : memref<!tpu.dma_semaphore, #tpu.memory_space<semaphore_mem>>) src(%dma_wait3A_62 : memref<4000xi32, #tpu.memory_space<hbm>>) dst(%dma_wait3A_60 : memref<4000xi32, #tpu.memory_space<vmem>>)
      %mul3A_63 = arith.constant 4000 : i32
      %mul3A_64 = arith.muli %rem3A_39, %mul3A_63 : i32
      %scan3A_65 = arith.constant 0 : i32
      %scan3A_66 = arith.constant 0 : i32
      %scan3A_67 = arith.constant 250 : i32
      %scan3A_68 = arith.addi %scan3A_66, %scan3A_67 : i32
      %scan3A_69 = arith.constant 2 : i32
      %scan3A_70 = scf.for %scan3A_73 = %scan3A_66 to %scan3A_68 step %scan3A_69 iter_args(%scan3A_74 = %scan3A_65) -> (i32)  : i32 {
        %mul3A_75 = arith.constant 16 : i32
        %mul3A_76 = arith.muli %scan3A_73, %mul3A_75 : i32
        %add3A_77 = arith.addi %mul3A_64, %mul3A_76 : i32
        %get3A = arith.index_cast %add3A_77 : i32 to index
        %get3A_78 = tpu.vector_load %arg8[%get3A] {strides = array<i32>} : memref<8000xi32, #tpu.memory_space<vmem>>, vector<16xi32>,
        %mul3A_79 = arith.constant 16 : i32
        %mul3A_80 = arith.muli %scan3A_73, %mul3A_79 : i32
        %add3A_81 = arith.addi %mul3A_64, %mul3A_80 : i32
        %get3A_82 = arith.index_cast %add3A_81 : i32 to index
        %get3A_83 = tpu.vector_load %arg9[%get3A_82] {strides = array<i32>} : memref<8000xi32, #tpu.memory_space<vmem>>, vector<16xi32>,
        %gather3A = tpu.vector_load_idx %arg6[%get3A_78] : memref<40000xf32, #tpu.memory_space<vmem>>[vector<16xi32>], vector<16xf32>,
        %add3A_84 = arith.constant 10000 : i32
        %add3A_85 = vector.broadcast %add3A_84 : i32 to vector<16xi32>
        %add3A_86 = arith.addi %get3A_78, %add3A_85 : vector<16xi32>
        %gather3A_87 = tpu.vector_load_idx %arg6[%add3A_86] : memref<40000xf32, #tpu.memory_space<vmem>>[vector<16xi32>], vector<16xf32>,
        %add3A_88 = arith.constant 20000 : i32
        %add3A_89 = vector.broadcast %add3A_88 : i32 to vector<16xi32>
        %add3A_90 = arith.addi %get3A_78, %add3A_89 : vector<16xi32>
        %gather3A_91 = tpu.vector_load_idx %arg6[%add3A_90] : memref<40000xf32, #tpu.memory_space<vmem>>[vector<16xi32>], vector<16xf32>,
        %add3A_92 = arith.constant 30000 : i32
        %add3A_93 = vector.broadcast %add3A_92 : i32 to vector<16xi32>
        %add3A_94 = arith.addi %get3A_78, %add3A_93 : vector<16xi32>
        %gather3A_95 = tpu.vector_load_idx %arg6[%add3A_94] : memref<40000xf32, #tpu.memory_space<vmem>>[vector<16xi32>], vector<16xf32>,
        %add3A_96 = arith.constant 10000 : i32
        %add3A_97 = vector.broadcast %add3A_96 : i32 to vector<16xi32>
        %add3A_98 = arith.addi %get3A_83, %add3A_97 : vector<16xi32>
        %add3A_99 = arith.constant 20000 : i32
        %add3A_100 = vector.broadcast %add3A_99 : i32 to vector<16xi32>
        %add3A_101 = arith.addi %get3A_83, %add3A_100 : vector<16xi32>
        %add3A_102 = arith.constant 30000 : i32
        %add3A_103 = vector.broadcast %add3A_102 : i32 to vector<16xi32>
        %add3A_104 = arith.addi %get3A_83, %add3A_103 : vector<16xi32>
        tpu.vector_store_idx %arg10[%get3A_83], %iota3A : memref<10000xi32, #tpu.memory_space<vmem>>[vector<16xi32>], vector<16xi32>,
        %gather3A_105 = tpu.vector_load_idx %arg10[%get3A_83] : memref<10000xi32, #tpu.memory_space<vmem>>[vector<16xi32>], vector<16xi32>,
        %eq3A = arith.cmpi eq, %gather3A_105, %iota3A : vector<16xi32>
        %reduce_and3A = arith.constant 1.000000e+00 : f32
        %reduce_and3A_106 = arith.constant 0.000000e+00 : f32
        %reduce_and3A_107 = vector.broadcast %reduce_and3A : f32 to vector<16xf32>
        %reduce_and3A_108 = vector.broadcast %reduce_and3A_106 : f32 to vector<16xf32>
        %reduce_and3A_109 = arith.select %eq3A, %reduce_and3A_107, %reduce_and3A_108 : vector<16xi1>, vector<16xf32>
        %reduce_and3A_110 = arith.constant true
        %reduce_and3A_111 = vector.broadcast %reduce_and3A_110 : i1 to vector<16xi1>
        %reduce_and3A_112 = tpu.scan <min>, %reduce_and3A_109 masked %reduce_and3A_111 : vector<16xf32>, vector<16xi1> -> vector<16xf32>
        %reduce_and3A_113 = vector.extract %reduce_and3A_112[15] : f32 from vector<16xf32>
        %reduce_and3A_114 = arith.constant 0.000000e+00 : f32
        %reduce_and3A_115 = arith.cmpf ogt, %reduce_and3A_113, %reduce_and3A_114 : f32
        %convert_element_type3A_116 = arith.extui %reduce_and3A_115 : i1 to i32
        %cond3A_117 = arith.constant 0 : i32
        %cond3A_118 = arith.cmpi ne, %convert_element_type3A_116, %cond3A_117 : i32
        scf.if %cond3A_118 {
          %gather3A_171 = tpu.vector_load_idx %arg7[%get3A_83] : memref<40000xf32, #tpu.memory_space<vmem>>[vector<16xi32>], vector<16xf32>,
          %max3A = arith.maximumf %gather3A_171, %gather3A : vector<16xf32>
          tpu.vector_store_idx %arg7[%get3A_83], %max3A : memref<40000xf32, #tpu.memory_space<vmem>>[vector<16xi32>], vector<16xf32>,
          %gather3A_172 = tpu.vector_load_idx %arg7[%add3A_98] : memref<40000xf32, #tpu.memory_space<vmem>>[vector<16xi32>], vector<16xf32>,
          %max3A_173 = arith.maximumf %gather3A_172, %gather3A_87 : vector<16xf32>
          tpu.vector_store_idx %arg7[%add3A_98], %max3A_173 : memref<40000xf32, #tpu.memory_space<vmem>>[vector<16xi32>], vector<16xf32>,
          %gather3A_174 = tpu.vector_load_idx %arg7[%add3A_101] : memref<40000xf32, #tpu.memory_space<vmem>>[vector<16xi32>], vector<16xf32>,
          %max3A_175 = arith.maximumf %gather3A_174, %gather3A_91 : vector<16xf32>
          tpu.vector_store_idx %arg7[%add3A_101], %max3A_175 : memref<40000xf32, #tpu.memory_space<vmem>>[vector<16xi32>], vector<16xf32>,
          %gather3A_176 = tpu.vector_load_idx %arg7[%add3A_104] : memref<40000xf32, #tpu.memory_space<vmem>>[vector<16xi32>], vector<16xf32>,
          %max3A_177 = arith.maximumf %gather3A_176, %gather3A_95 : vector<16xf32>
          tpu.vector_store_idx %arg7[%add3A_104], %max3A_177 : memref<40000xf32, #tpu.memory_space<vmem>>[vector<16xi32>], vector<16xf32>,
        } else {
          %broadcast_in_dim3A = arith.constant true
          %broadcast_in_dim3A_171 = vector.broadcast %broadcast_in_dim3A : i1 to vector<16xi1>
          %while3A = scf.while (%while3A_172 = %broadcast_in_dim3A_171) : (vector<16xi1>) -> vector<16xi1> {
            %reduce_or3A = arith.constant 1.000000e+00 : f32
            %reduce_or3A_173 = arith.constant 0.000000e+00 : f32
            %reduce_or3A_174 = vector.broadcast %reduce_or3A : f32 to vector<16xf32>
            %reduce_or3A_175 = vector.broadcast %reduce_or3A_173 : f32 to vector<16xf32>
            %reduce_or3A_176 = arith.select %while3A_172, %reduce_or3A_174, %reduce_or3A_175 : vector<16xi1>, vector<16xf32>
            %reduce_or3A_177 = arith.constant true
            %reduce_or3A_178 = vector.broadcast %reduce_or3A_177 : i1 to vector<16xi1>
            %reduce_or3A_179 = tpu.scan <max>, %reduce_or3A_176 masked %reduce_or3A_178 : vector<16xf32>, vector<16xi1> -> vector<16xf32>
            %reduce_or3A_180 = vector.extract %reduce_or3A_179[15] : f32 from vector<16xf32>
            %reduce_or3A_181 = arith.constant 0.000000e+00 : f32
            %reduce_or3A_182 = arith.cmpf ogt, %reduce_or3A_180, %reduce_or3A_181 : f32
            scf.condition(%reduce_or3A_182) %while3A_172 : vector<16xi1>
          } do {
          ^bb0(%while3A_172: vector<16xi1>):
            %broadcast_in_dim3A_173 = arith.constant false
            %broadcast_in_dim3A_174 = vector.broadcast %broadcast_in_dim3A_173 : i1 to vector<16xi1>
            %gather3A_175 = tpu.vector_load_idx %arg7[%get3A_83] : memref<40000xf32, #tpu.memory_space<vmem>>[vector<16xi32>], vector<16xf32>,
            %max3A = arith.maximumf %gather3A_175, %gather3A : vector<16xf32>
            tpu.vector_store_idx %arg7[%get3A_83], %max3A masked %while3A_172 : memref<40000xf32, #tpu.memory_space<vmem>>[vector<16xi32>], vector<16xf32>, vector<16xi1>
            %gather3A_176 = tpu.vector_load_idx %arg7[%get3A_83] : memref<40000xf32, #tpu.memory_space<vmem>>[vector<16xi32>], vector<16xf32>,
            %lt3A_177 = arith.cmpf olt, %gather3A_176, %gather3A : vector<16xf32>
            %or3A = arith.ori %broadcast_in_dim3A_174, %lt3A_177 : vector<16xi1>
            %gather3A_178 = tpu.vector_load_idx %arg7[%add3A_98] : memref<40000xf32, #tpu.memory_space<vmem>>[vector<16xi32>], vector<16xf32>,
            %max3A_179 = arith.maximumf %gather3A_178, %gather3A_87 : vector<16xf32>
            tpu.vector_store_idx %arg7[%add3A_98], %max3A_179 masked %while3A_172 : memref<40000xf32, #tpu.memory_space<vmem>>[vector<16xi32>], vector<16xf32>, vector<16xi1>
            %gather3A_180 = tpu.vector_load_idx %arg7[%add3A_98] : memref<40000xf32, #tpu.memory_space<vmem>>[vector<16xi32>], vector<16xf32>,
            %lt3A_181 = arith.cmpf olt, %gather3A_180, %gather3A_87 : vector<16xf32>
            %or3A_182 = arith.ori %or3A, %lt3A_181 : vector<16xi1>
            %gather3A_183 = tpu.vector_load_idx %arg7[%add3A_101] : memref<40000xf32, #tpu.memory_space<vmem>>[vector<16xi32>], vector<16xf32>,
            %max3A_184 = arith.maximumf %gather3A_183, %gather3A_91 : vector<16xf32>
            tpu.vector_store_idx %arg7[%add3A_101], %max3A_184 masked %while3A_172 : memref<40000xf32, #tpu.memory_space<vmem>>[vector<16xi32>], vector<16xf32>, vector<16xi1>
            %gather3A_185 = tpu.vector_load_idx %arg7[%add3A_101] : memref<40000xf32, #tpu.memory_space<vmem>>[vector<16xi32>], vector<16xf32>,
            %lt3A_186 = arith.cmpf olt, %gather3A_185, %gather3A_91 : vector<16xf32>
            %or3A_187 = arith.ori %or3A_182, %lt3A_186 : vector<16xi1>
            %gather3A_188 = tpu.vector_load_idx %arg7[%add3A_104] : memref<40000xf32, #tpu.memory_space<vmem>>[vector<16xi32>], vector<16xf32>,
            %max3A_189 = arith.maximumf %gather3A_188, %gather3A_95 : vector<16xf32>
            tpu.vector_store_idx %arg7[%add3A_104], %max3A_189 masked %while3A_172 : memref<40000xf32, #tpu.memory_space<vmem>>[vector<16xi32>], vector<16xf32>, vector<16xi1>
            %gather3A_190 = tpu.vector_load_idx %arg7[%add3A_104] : memref<40000xf32, #tpu.memory_space<vmem>>[vector<16xi32>], vector<16xf32>,
            %lt3A_191 = arith.cmpf olt, %gather3A_190, %gather3A_95 : vector<16xf32>
            %or3A_192 = arith.ori %or3A_187, %lt3A_191 : vector<16xi1>
            %and3A = arith.andi %while3A_172, %or3A_192 : vector<16xi1>
            scf.yield %and3A : vector<16xi1>
          }
        }
        %scan3A_119 = arith.constant 0 : i32
        %scan3A_120 = arith.constant 1 : i32
        %scan3A_121 = arith.addi %scan3A_73, %scan3A_120 : i32
        %mul3A_122 = arith.constant 16 : i32
        %mul3A_123 = arith.muli %scan3A_121, %mul3A_122 : i32
        %add3A_124 = arith.addi %mul3A_64, %mul3A_123 : i32
        %get3A_125 = arith.index_cast %add3A_124 : i32 to index
        %get3A_126 = tpu.vector_load %arg8[%get3A_125] {strides = array<i32>} : memref<8000xi32, #tpu.memory_space<vmem>>, vector<16xi32>,
        %mul3A_127 = arith.constant 16 : i32
        %mul3A_128 = arith.muli %scan3A_121, %mul3A_127 : i32
        %add3A_129 = arith.addi %mul3A_64, %mul3A_128 : i32
        %get3A_130 = arith.index_cast %add3A_129 : i32 to index
        %get3A_131 = tpu.vector_load %arg9[%get3A_130] {strides = array<i32>} : memref<8000xi32, #tpu.memory_space<vmem>>, vector<16xi32>,
        %gather3A_132 = tpu.vector_load_idx %arg6[%get3A_126] : memref<40000xf32, #tpu.memory_space<vmem>>[vector<16xi32>], vector<16xf32>,
        %add3A_133 = arith.constant 10000 : i32
        %add3A_134 = vector.broadcast %add3A_133 : i32 to vector<16xi32>
        %add3A_135 = arith.addi %get3A_126, %add3A_134 : vector<16xi32>
        %gather3A_136 = tpu.vector_load_idx %arg6[%add3A_135] : memref<40000xf32, #tpu.memory_space<vmem>>[vector<16xi32>], vector<16xf32>,
        %add3A_137 = arith.constant 20000 : i32
        %add3A_138 = vector.broadcast %add3A_137 : i32 to vector<16xi32>
        %add3A_139 = arith.addi %get3A_126, %add3A_138 : vector<16xi32>
        %gather3A_140 = tpu.vector_load_idx %arg6[%add3A_139] : memref<40000xf32, #tpu.memory_space<vmem>>[vector<16xi32>], vector<16xf32>,
        %add3A_141 = arith.constant 30000 : i32
        %add3A_142 = vector.broadcast %add3A_141 : i32 to vector<16xi32>
        %add3A_143 = arith.addi %get3A_126, %add3A_142 : vector<16xi32>
        %gather3A_144 = tpu.vector_load_idx %arg6[%add3A_143] : memref<40000xf32, #tpu.memory_space<vmem>>[vector<16xi32>], vector<16xf32>,
        %add3A_145 = arith.constant 10000 : i32
        %add3A_146 = vector.broadcast %add3A_145 : i32 to vector<16xi32>
        %add3A_147 = arith.addi %get3A_131, %add3A_146 : vector<16xi32>
        %add3A_148 = arith.constant 20000 : i32
        %add3A_149 = vector.broadcast %add3A_148 : i32 to vector<16xi32>
        %add3A_150 = arith.addi %get3A_131, %add3A_149 : vector<16xi32>
        %add3A_151 = arith.constant 30000 : i32
        %add3A_152 = vector.broadcast %add3A_151 : i32 to vector<16xi32>
        %add3A_153 = arith.addi %get3A_131, %add3A_152 : vector<16xi32>
        tpu.vector_store_idx %arg10[%get3A_131], %iota3A : memref<10000xi32, #tpu.memory_space<vmem>>[vector<16xi32>], vector<16xi32>,
        %gather3A_154 = tpu.vector_load_idx %arg10[%get3A_131] : memref<10000xi32, #tpu.memory_space<vmem>>[vector<16xi32>], vector<16xi32>,
        %eq3A_155 = arith.cmpi eq, %gather3A_154, %iota3A : vector<16xi32>
        %reduce_and3A_156 = arith.constant 1.000000e+00 : f32
        %reduce_and3A_157 = arith.constant 0.000000e+00 : f32
        %reduce_and3A_158 = vector.broadcast %reduce_and3A_156 : f32 to vector<16xf32>
        %reduce_and3A_159 = vector.broadcast %reduce_and3A_157 : f32 to vector<16xf32>
        %reduce_and3A_160 = arith.select %eq3A_155, %reduce_and3A_158, %reduce_and3A_159 : vector<16xi1>, vector<16xf32>
        %reduce_and3A_161 = arith.constant true
        %reduce_and3A_162 = vector.broadcast %reduce_and3A_161 : i1 to vector<16xi1>
        %reduce_and3A_163 = tpu.scan <min>, %reduce_and3A_160 masked %reduce_and3A_162 : vector<16xf32>, vector<16xi1> -> vector<16xf32>
        %reduce_and3A_164 = vector.extract %reduce_and3A_163[15] : f32 from vector<16xf32>
        %reduce_and3A_165 = arith.constant 0.000000e+00 : f32
        %reduce_and3A_166 = arith.cmpf ogt, %reduce_and3A_164, %reduce_and3A_165 : f32
        %convert_element_type3A_167 = arith.extui %reduce_and3A_166 : i1 to i32
        %cond3A_168 = arith.constant 0 : i32
        %cond3A_169 = arith.cmpi ne, %convert_element_type3A_167, %cond3A_168 : i32
        scf.if %cond3A_169 {
          %gather3A_171 = tpu.vector_load_idx %arg7[%get3A_131] : memref<40000xf32, #tpu.memory_space<vmem>>[vector<16xi32>], vector<16xf32>,
          %max3A = arith.maximumf %gather3A_171, %gather3A_132 : vector<16xf32>
          tpu.vector_store_idx %arg7[%get3A_131], %max3A : memref<40000xf32, #tpu.memory_space<vmem>>[vector<16xi32>], vector<16xf32>,
          %gather3A_172 = tpu.vector_load_idx %arg7[%add3A_147] : memref<40000xf32, #tpu.memory_space<vmem>>[vector<16xi32>], vector<16xf32>,
          %max3A_173 = arith.maximumf %gather3A_172, %gather3A_136 : vector<16xf32>
          tpu.vector_store_idx %arg7[%add3A_147], %max3A_173 : memref<40000xf32, #tpu.memory_space<vmem>>[vector<16xi32>], vector<16xf32>,
          %gather3A_174 = tpu.vector_load_idx %arg7[%add3A_150] : memref<40000xf32, #tpu.memory_space<vmem>>[vector<16xi32>], vector<16xf32>,
          %max3A_175 = arith.maximumf %gather3A_174, %gather3A_140 : vector<16xf32>
          tpu.vector_store_idx %arg7[%add3A_150], %max3A_175 : memref<40000xf32, #tpu.memory_space<vmem>>[vector<16xi32>], vector<16xf32>,
          %gather3A_176 = tpu.vector_load_idx %arg7[%add3A_153] : memref<40000xf32, #tpu.memory_space<vmem>>[vector<16xi32>], vector<16xf32>,
          %max3A_177 = arith.maximumf %gather3A_176, %gather3A_144 : vector<16xf32>
          tpu.vector_store_idx %arg7[%add3A_153], %max3A_177 : memref<40000xf32, #tpu.memory_space<vmem>>[vector<16xi32>], vector<16xf32>,
        } else {
          %broadcast_in_dim3A = arith.constant true
          %broadcast_in_dim3A_171 = vector.broadcast %broadcast_in_dim3A : i1 to vector<16xi1>
          %while3A = scf.while (%while3A_172 = %broadcast_in_dim3A_171) : (vector<16xi1>) -> vector<16xi1> {
            %reduce_or3A = arith.constant 1.000000e+00 : f32
            %reduce_or3A_173 = arith.constant 0.000000e+00 : f32
            %reduce_or3A_174 = vector.broadcast %reduce_or3A : f32 to vector<16xf32>
            %reduce_or3A_175 = vector.broadcast %reduce_or3A_173 : f32 to vector<16xf32>
            %reduce_or3A_176 = arith.select %while3A_172, %reduce_or3A_174, %reduce_or3A_175 : vector<16xi1>, vector<16xf32>
            %reduce_or3A_177 = arith.constant true
            %reduce_or3A_178 = vector.broadcast %reduce_or3A_177 : i1 to vector<16xi1>
            %reduce_or3A_179 = tpu.scan <max>, %reduce_or3A_176 masked %reduce_or3A_178 : vector<16xf32>, vector<16xi1> -> vector<16xf32>
            %reduce_or3A_180 = vector.extract %reduce_or3A_179[15] : f32 from vector<16xf32>
            %reduce_or3A_181 = arith.constant 0.000000e+00 : f32
            %reduce_or3A_182 = arith.cmpf ogt, %reduce_or3A_180, %reduce_or3A_181 : f32
            scf.condition(%reduce_or3A_182) %while3A_172 : vector<16xi1>
          } do {
          ^bb0(%while3A_172: vector<16xi1>):
            %broadcast_in_dim3A_173 = arith.constant false
            %broadcast_in_dim3A_174 = vector.broadcast %broadcast_in_dim3A_173 : i1 to vector<16xi1>
            %gather3A_175 = tpu.vector_load_idx %arg7[%get3A_131] : memref<40000xf32, #tpu.memory_space<vmem>>[vector<16xi32>], vector<16xf32>,
            %max3A = arith.maximumf %gather3A_175, %gather3A_132 : vector<16xf32>
            tpu.vector_store_idx %arg7[%get3A_131], %max3A masked %while3A_172 : memref<40000xf32, #tpu.memory_space<vmem>>[vector<16xi32>], vector<16xf32>, vector<16xi1>
            %gather3A_176 = tpu.vector_load_idx %arg7[%get3A_131] : memref<40000xf32, #tpu.memory_space<vmem>>[vector<16xi32>], vector<16xf32>,
            %lt3A_177 = arith.cmpf olt, %gather3A_176, %gather3A_132 : vector<16xf32>
            %or3A = arith.ori %broadcast_in_dim3A_174, %lt3A_177 : vector<16xi1>
            %gather3A_178 = tpu.vector_load_idx %arg7[%add3A_147] : memref<40000xf32, #tpu.memory_space<vmem>>[vector<16xi32>], vector<16xf32>,
            %max3A_179 = arith.maximumf %gather3A_178, %gather3A_136 : vector<16xf32>
            tpu.vector_store_idx %arg7[%add3A_147], %max3A_179 masked %while3A_172 : memref<40000xf32, #tpu.memory_space<vmem>>[vector<16xi32>], vector<16xf32>, vector<16xi1>
            %gather3A_180 = tpu.vector_load_idx %arg7[%add3A_147] : memref<40000xf32, #tpu.memory_space<vmem>>[vector<16xi32>], vector<16xf32>,
            %lt3A_181 = arith.cmpf olt, %gather3A_180, %gather3A_136 : vector<16xf32>
            %or3A_182 = arith.ori %or3A, %lt3A_181 : vector<16xi1>
            %gather3A_183 = tpu.vector_load_idx %arg7[%add3A_150] : memref<40000xf32, #tpu.memory_space<vmem>>[vector<16xi32>], vector<16xf32>,
            %max3A_184 = arith.maximumf %gather3A_183, %gather3A_140 : vector<16xf32>
            tpu.vector_store_idx %arg7[%add3A_150], %max3A_184 masked %while3A_172 : memref<40000xf32, #tpu.memory_space<vmem>>[vector<16xi32>], vector<16xf32>, vector<16xi1>
            %gather3A_185 = tpu.vector_load_idx %arg7[%add3A_150] : memref<40000xf32, #tpu.memory_space<vmem>>[vector<16xi32>], vector<16xf32>,
            %lt3A_186 = arith.cmpf olt, %gather3A_185, %gather3A_140 : vector<16xf32>
            %or3A_187 = arith.ori %or3A_182, %lt3A_186 : vector<16xi1>
            %gather3A_188 = tpu.vector_load_idx %arg7[%add3A_153] : memref<40000xf32, #tpu.memory_space<vmem>>[vector<16xi32>], vector<16xf32>,
            %max3A_189 = arith.maximumf %gather3A_188, %gather3A_144 : vector<16xf32>
            tpu.vector_store_idx %arg7[%add3A_153], %max3A_189 masked %while3A_172 : memref<40000xf32, #tpu.memory_space<vmem>>[vector<16xi32>], vector<16xf32>, vector<16xi1>
            %gather3A_190 = tpu.vector_load_idx %arg7[%add3A_153] : memref<40000xf32, #tpu.memory_space<vmem>>[vector<16xi32>], vector<16xf32>,
            %lt3A_191 = arith.cmpf olt, %gather3A_190, %gather3A_144 : vector<16xf32>
            %or3A_192 = arith.ori %or3A_187, %lt3A_191 : vector<16xi1>
            %and3A = arith.andi %while3A_172, %or3A_192 : vector<16xi1>
            scf.yield %and3A : vector<16xi1>
          }
        }
        %scan3A_170 = arith.constant 0 : i32
        scf.yield %scan3A_170 : i32
      }
      %scan3A_71 = arith.constant 250 : i32
      %scan3A_72 = arith.constant 0 : i32
      scf.yield %scan3A_72 : i32
    }
    %scan3A_36 = arith.constant 80 : i32
    "tpu.region"() ({
      %run_scoped3A = tpu.sem_alloc : memref<!tpu.dma_semaphore, #tpu.memory_space<semaphore_mem>>
      %dma_start3A_37 = tpu.memref_slice %arg5[%mul3A_2] : memref<1280000xf32, #tpu.memory_space<hbm>> -> memref<40000xf32, #tpu.memory_space<hbm>>
      %dma_start3A_38 = tpu.memref_slice %arg5[%mul3A_2] : memref<1280000xf32, #tpu.memory_space<hbm>> -> memref<40000xf32, #tpu.memory_space<hbm>>
      tpu.enqueue_dma source(%arg7 : memref<40000xf32, #tpu.memory_space<vmem>>) target(%dma_start3A_38 : memref<40000xf32, #tpu.memory_space<hbm>>) target_semaphore(%run_scoped3A : memref<!tpu.dma_semaphore, #tpu.memory_space<semaphore_mem>>)
      %dma_wait3A = tpu.memref_slice %arg5[%mul3A_2] : memref<1280000xf32, #tpu.memory_space<hbm>> -> memref<40000xf32, #tpu.memory_space<hbm>>
      %dma_wait3A_39 = tpu.memref_slice %arg5[%mul3A_2] : memref<1280000xf32, #tpu.memory_space<hbm>> -> memref<40000xf32, #tpu.memory_space<hbm>>
      tpu.wait_dma2 semaphore(%run_scoped3A : memref<!tpu.dma_semaphore, #tpu.memory_space<semaphore_mem>>) src(%arg7 : memref<40000xf32, #tpu.memory_space<vmem>>) dst(%dma_wait3A_39 : memref<40000xf32, #tpu.memory_space<hbm>>)
      tpu.yield
    }) : () -> ()
    return
  }
}

#map = affine_map<(d0, d1) -> (0)>
module attributes {stable_mosaic.version = 14 : i64} {
  func.func @body(%arg0: i32, %arg1: i32, %arg2: memref<320000xf32, #tpu.memory_space<hbm>>, %arg3: memref<320000xi32, #tpu.memory_space<hbm>>, %arg4: memref<320000xi32, #tpu.memory_space<hbm>>, %arg5: memref<320000xf32, #tpu.memory_space<hbm>>, %arg6: memref<10000xf32, #tpu.memory_space<vmem>>, %arg7: memref<10000xf32, #tpu.memory_space<vmem>>, %arg8: memref<8000xi32, #tpu.memory_space<vmem>>, %arg9: memref<8000xi32, #tpu.memory_space<vmem>>, %arg10: memref<10000xi32, #tpu.memory_space<vmem>>, %arg11: memref<2x!tpu.dma_semaphore, #tpu.memory_space<semaphore_mem>>) attributes {dimension_semantics = [#tpu.dimension_semantics<core_parallel>, #tpu.dimension_semantics<subcore_parallel>], iteration_bounds = array<i64: 2, 16>, scalar_prefetch = 0 : i64, scratch_operands = 6 : i64, tpu.core_type = #tpu.core_type<sc_vector_subcore>, window_params = [{transform_indices = #map}, {transform_indices = #map}, {transform_indices = #map}, {transform_indices = #map}]} {
    %mul3A = arith.constant 2 : i32
    %mul3A_0 = arith.muli %arg1, %mul3A : i32
    %add3A = arith.addi %mul3A_0, %arg0 : i32
    %mul3A_1 = arith.constant 10000 : i32
    %mul3A_2 = arith.muli %add3A, %mul3A_1 : i32
    "tpu.region"() ({
      %run_scoped3A = tpu.sem_alloc : memref<!tpu.dma_semaphore, #tpu.memory_space<semaphore_mem>>
      %dma_start3A_44 = tpu.memref_slice %arg2[%mul3A_2] : memref<320000xf32, #tpu.memory_space<hbm>> -> memref<10000xf32, #tpu.memory_space<hbm>>
      %dma_start3A_45 = tpu.memref_slice %arg2[%mul3A_2] : memref<320000xf32, #tpu.memory_space<hbm>> -> memref<10000xf32, #tpu.memory_space<hbm>>
      tpu.enqueue_dma source(%dma_start3A_45 : memref<10000xf32, #tpu.memory_space<hbm>>) target(%arg6 : memref<10000xf32, #tpu.memory_space<vmem>>) target_semaphore(%run_scoped3A : memref<!tpu.dma_semaphore, #tpu.memory_space<semaphore_mem>>)
      %dma_wait3A = tpu.memref_slice %arg2[%mul3A_2] : memref<320000xf32, #tpu.memory_space<hbm>> -> memref<10000xf32, #tpu.memory_space<hbm>>
      %dma_wait3A_46 = tpu.memref_slice %arg2[%mul3A_2] : memref<320000xf32, #tpu.memory_space<hbm>> -> memref<10000xf32, #tpu.memory_space<hbm>>
      tpu.wait_dma2 semaphore(%run_scoped3A : memref<!tpu.dma_semaphore, #tpu.memory_space<semaphore_mem>>) src(%dma_wait3A_46 : memref<10000xf32, #tpu.memory_space<hbm>>) dst(%arg6 : memref<10000xf32, #tpu.memory_space<vmem>>)
      tpu.yield
    }) : () -> ()
    %scan3A = arith.constant 0 : i32
    %scan3A_3 = arith.constant 0 : i32
    %scan3A_4 = arith.constant 624 : i32
    %scan3A_5 = arith.addi %scan3A_3, %scan3A_4 : i32
    %scan3A_6 = arith.constant 4 : i32
    %scan3A_7 = scf.for %scan3A_44 = %scan3A_3 to %scan3A_5 step %scan3A_6 iter_args(%scan3A_45 = %scan3A) -> (i32)  : i32 {
      %broadcast_in_dim3A_46 = arith.constant 0.000000e+00 : f32
      %broadcast_in_dim3A_47 = vector.broadcast %broadcast_in_dim3A_46 : f32 to vector<16xf32>
      %mul3A_48 = arith.constant 16 : i32
      %mul3A_49 = arith.muli %scan3A_44, %mul3A_48 : i32
      %swap3A_50 = arith.index_cast %mul3A_49 : i32 to index
      %swap3A_51 = tpu.vector_load %arg7[%swap3A_50] {strides = array<i32>} : memref<10000xf32, #tpu.memory_space<vmem>>, vector<16xf32>,
      tpu.vector_store %arg7[%swap3A_50], %broadcast_in_dim3A_47 {strides = array<i32>} : memref<10000xf32, #tpu.memory_space<vmem>>, vector<16xf32>,
      %scan3A_52 = arith.constant 0 : i32
      %scan3A_53 = arith.constant 1 : i32
      %scan3A_54 = arith.addi %scan3A_44, %scan3A_53 : i32
      %broadcast_in_dim3A_55 = arith.constant 0.000000e+00 : f32
      %broadcast_in_dim3A_56 = vector.broadcast %broadcast_in_dim3A_55 : f32 to vector<16xf32>
      %mul3A_57 = arith.constant 16 : i32
      %mul3A_58 = arith.muli %scan3A_54, %mul3A_57 : i32
      %swap3A_59 = arith.index_cast %mul3A_58 : i32 to index
      %swap3A_60 = tpu.vector_load %arg7[%swap3A_59] {strides = array<i32>} : memref<10000xf32, #tpu.memory_space<vmem>>, vector<16xf32>,
      tpu.vector_store %arg7[%swap3A_59], %broadcast_in_dim3A_56 {strides = array<i32>} : memref<10000xf32, #tpu.memory_space<vmem>>, vector<16xf32>,
      %scan3A_61 = arith.constant 0 : i32
      %scan3A_62 = arith.constant 2 : i32
      %scan3A_63 = arith.addi %scan3A_44, %scan3A_62 : i32
      %broadcast_in_dim3A_64 = arith.constant 0.000000e+00 : f32
      %broadcast_in_dim3A_65 = vector.broadcast %broadcast_in_dim3A_64 : f32 to vector<16xf32>
      %mul3A_66 = arith.constant 16 : i32
      %mul3A_67 = arith.muli %scan3A_63, %mul3A_66 : i32
      %swap3A_68 = arith.index_cast %mul3A_67 : i32 to index
      %swap3A_69 = tpu.vector_load %arg7[%swap3A_68] {strides = array<i32>} : memref<10000xf32, #tpu.memory_space<vmem>>, vector<16xf32>,
      tpu.vector_store %arg7[%swap3A_68], %broadcast_in_dim3A_65 {strides = array<i32>} : memref<10000xf32, #tpu.memory_space<vmem>>, vector<16xf32>,
      %scan3A_70 = arith.constant 0 : i32
      %scan3A_71 = arith.constant 3 : i32
      %scan3A_72 = arith.addi %scan3A_44, %scan3A_71 : i32
      %broadcast_in_dim3A_73 = arith.constant 0.000000e+00 : f32
      %broadcast_in_dim3A_74 = vector.broadcast %broadcast_in_dim3A_73 : f32 to vector<16xf32>
      %mul3A_75 = arith.constant 16 : i32
      %mul3A_76 = arith.muli %scan3A_72, %mul3A_75 : i32
      %swap3A_77 = arith.index_cast %mul3A_76 : i32 to index
      %swap3A_78 = tpu.vector_load %arg7[%swap3A_77] {strides = array<i32>} : memref<10000xf32, #tpu.memory_space<vmem>>, vector<16xf32>,
      tpu.vector_store %arg7[%swap3A_77], %broadcast_in_dim3A_74 {strides = array<i32>} : memref<10000xf32, #tpu.memory_space<vmem>>, vector<16xf32>,
      %scan3A_79 = arith.constant 0 : i32
      scf.yield %scan3A_79 : i32
    }
    %scan3A_8 = arith.constant 624 : i32
    %scan3A_9 = arith.addi %scan3A_3, %scan3A_8 : i32
    %broadcast_in_dim3A = arith.constant 0.000000e+00 : f32
    %broadcast_in_dim3A_10 = vector.broadcast %broadcast_in_dim3A : f32 to vector<16xf32>
    %mul3A_11 = arith.constant 16 : i32
    %mul3A_12 = arith.muli %scan3A_9, %mul3A_11 : i32
    %swap3A = arith.index_cast %mul3A_12 : i32 to index
    %swap3A_13 = tpu.vector_load %arg7[%swap3A] {strides = array<i32>} : memref<10000xf32, #tpu.memory_space<vmem>>, vector<16xf32>,
    tpu.vector_store %arg7[%swap3A], %broadcast_in_dim3A_10 {strides = array<i32>} : memref<10000xf32, #tpu.memory_space<vmem>>, vector<16xf32>,
    %scan3A_14 = arith.constant 0 : i32
    %scan3A_15 = arith.constant 625 : i32
    %iota3A = tpu.iota {dimensions = array<i32: 0>} : vector<16xi32>
    %dma_start3A = arith.constant 0 : i32
    %dma_start3A_16 = arith.constant 0 : i32
    %dma_start3A_17 = tpu.memref_slice %arg8[%dma_start3A_16] : memref<8000xi32, #tpu.memory_space<vmem>> -> memref<4000xi32, #tpu.memory_space<vmem>>
    %dma_start3A_18 = arith.constant 0 : i32
    %dma_start3A_19 = tpu.memref_slice %arg3[%dma_start3A_18] : memref<320000xi32, #tpu.memory_space<hbm>> -> memref<4000xi32, #tpu.memory_space<hbm>>
    %dma_start3A_20 = tpu.memref_slice %arg11[%dma_start3A] : memref<2x!tpu.dma_semaphore, #tpu.memory_space<semaphore_mem>> -> memref<1x!tpu.dma_semaphore, #tpu.memory_space<semaphore_mem>>
    %dma_start3A_21 = tpu.memref_squeeze %dma_start3A_20 : memref<1x!tpu.dma_semaphore, #tpu.memory_space<semaphore_mem>> -> memref<!tpu.dma_semaphore, #tpu.memory_space<semaphore_mem>>
    %dma_start3A_22 = arith.constant 0 : i32
    %dma_start3A_23 = tpu.memref_slice %arg8[%dma_start3A_22] : memref<8000xi32, #tpu.memory_space<vmem>> -> memref<4000xi32, #tpu.memory_space<vmem>>
    %dma_start3A_24 = arith.constant 0 : i32
    %dma_start3A_25 = tpu.memref_slice %arg3[%dma_start3A_24] : memref<320000xi32, #tpu.memory_space<hbm>> -> memref<4000xi32, #tpu.memory_space<hbm>>
    tpu.enqueue_dma source(%dma_start3A_25 : memref<4000xi32, #tpu.memory_space<hbm>>) target(%dma_start3A_23 : memref<4000xi32, #tpu.memory_space<vmem>>) target_semaphore(%dma_start3A_21 : memref<!tpu.dma_semaphore, #tpu.memory_space<semaphore_mem>>)
    %dma_start3A_26 = arith.constant 0 : i32
    %dma_start3A_27 = arith.constant 0 : i32
    %dma_start3A_28 = tpu.memref_slice %arg9[%dma_start3A_27] : memref<8000xi32, #tpu.memory_space<vmem>> -> memref<4000xi32, #tpu.memory_space<vmem>>
    %dma_start3A_29 = arith.constant 0 : i32
    %dma_start3A_30 = tpu.memref_slice %arg4[%dma_start3A_29] : memref<320000xi32, #tpu.memory_space<hbm>> -> memref<4000xi32, #tpu.memory_space<hbm>>
    %dma_start3A_31 = tpu.memref_slice %arg11[%dma_start3A_26] : memref<2x!tpu.dma_semaphore, #tpu.memory_space<semaphore_mem>> -> memref<1x!tpu.dma_semaphore, #tpu.memory_space<semaphore_mem>>
    %dma_start3A_32 = tpu.memref_squeeze %dma_start3A_31 : memref<1x!tpu.dma_semaphore, #tpu.memory_space<semaphore_mem>> -> memref<!tpu.dma_semaphore, #tpu.memory_space<semaphore_mem>>
    %dma_start3A_33 = arith.constant 0 : i32
    %dma_start3A_34 = tpu.memref_slice %arg9[%dma_start3A_33] : memref<8000xi32, #tpu.memory_space<vmem>> -> memref<4000xi32, #tpu.memory_space<vmem>>
    %dma_start3A_35 = arith.constant 0 : i32
    %dma_start3A_36 = tpu.memref_slice %arg4[%dma_start3A_35] : memref<320000xi32, #tpu.memory_space<hbm>> -> memref<4000xi32, #tpu.memory_space<hbm>>
    tpu.enqueue_dma source(%dma_start3A_36 : memref<4000xi32, #tpu.memory_space<hbm>>) target(%dma_start3A_34 : memref<4000xi32, #tpu.memory_space<vmem>>) target_semaphore(%dma_start3A_32 : memref<!tpu.dma_semaphore, #tpu.memory_space<semaphore_mem>>)
    %scan3A_37 = arith.constant 0 : i32
    %scan3A_38 = arith.constant 0 : i32
    %scan3A_39 = arith.constant 80 : i32
    %scan3A_40 = arith.addi %scan3A_38, %scan3A_39 : i32
    %scan3A_41 = arith.constant 1 : i32
    %scan3A_42 = scf.for %scan3A_44 = %scan3A_38 to %scan3A_40 step %scan3A_41 iter_args(%scan3A_45 = %scan3A_37) -> (i32)  : i32 {
      %rem3A = arith.constant 2 : i32
      %rem3A_46 = arith.remsi %scan3A_44, %rem3A : i32
      %add3A_47 = arith.constant 1 : i32
      %add3A_48 = arith.addi %scan3A_44, %add3A_47 : i32
      %lt3A = arith.constant 80 : i32
      %lt3A_49 = arith.cmpi slt, %add3A_48, %lt3A : i32
      %convert_element_type3A = arith.extui %lt3A_49 : i1 to i32
      %cond3A = arith.constant 0 : i32
      %cond3A_50 = arith.cmpi ne, %convert_element_type3A, %cond3A : i32
      scf.if %cond3A_50 {
        %add3A_80 = arith.constant 1 : i32
        %add3A_81 = arith.addi %scan3A_44, %add3A_80 : i32
        %sub3A = arith.constant 1 : i32
        %sub3A_82 = arith.subi %sub3A, %rem3A_46 : i32
        %mul3A_83 = arith.constant 4000 : i32
        %mul3A_84 = arith.muli %add3A_81, %mul3A_83 : i32
        %mul3A_85 = arith.constant 4000 : i32
        %mul3A_86 = arith.muli %sub3A_82, %mul3A_85 : i32
        %dma_start3A_87 = tpu.memref_slice %arg8[%mul3A_86] : memref<8000xi32, #tpu.memory_space<vmem>> -> memref<4000xi32, #tpu.memory_space<vmem>>
        %dma_start3A_88 = tpu.memref_slice %arg3[%mul3A_84] : memref<320000xi32, #tpu.memory_space<hbm>> -> memref<4000xi32, #tpu.memory_space<hbm>>
        %dma_start3A_89 = tpu.memref_slice %arg11[%sub3A_82] : memref<2x!tpu.dma_semaphore, #tpu.memory_space<semaphore_mem>> -> memref<1x!tpu.dma_semaphore, #tpu.memory_space<semaphore_mem>>
        %dma_start3A_90 = tpu.memref_squeeze %dma_start3A_89 : memref<1x!tpu.dma_semaphore, #tpu.memory_space<semaphore_mem>> -> memref<!tpu.dma_semaphore, #tpu.memory_space<semaphore_mem>>
        %dma_start3A_91 = tpu.memref_slice %arg8[%mul3A_86] : memref<8000xi32, #tpu.memory_space<vmem>> -> memref<4000xi32, #tpu.memory_space<vmem>>
        %dma_start3A_92 = tpu.memref_slice %arg3[%mul3A_84] : memref<320000xi32, #tpu.memory_space<hbm>> -> memref<4000xi32, #tpu.memory_space<hbm>>
        tpu.enqueue_dma source(%dma_start3A_92 : memref<4000xi32, #tpu.memory_space<hbm>>) target(%dma_start3A_91 : memref<4000xi32, #tpu.memory_space<vmem>>) target_semaphore(%dma_start3A_90 : memref<!tpu.dma_semaphore, #tpu.memory_space<semaphore_mem>>)
        %mul3A_93 = arith.constant 4000 : i32
        %mul3A_94 = arith.muli %add3A_81, %mul3A_93 : i32
        %mul3A_95 = arith.constant 4000 : i32
        %mul3A_96 = arith.muli %sub3A_82, %mul3A_95 : i32
        %dma_start3A_97 = tpu.memref_slice %arg9[%mul3A_96] : memref<8000xi32, #tpu.memory_space<vmem>> -> memref<4000xi32, #tpu.memory_space<vmem>>
        %dma_start3A_98 = tpu.memref_slice %arg4[%mul3A_94] : memref<320000xi32, #tpu.memory_space<hbm>> -> memref<4000xi32, #tpu.memory_space<hbm>>
        %dma_start3A_99 = tpu.memref_slice %arg11[%sub3A_82] : memref<2x!tpu.dma_semaphore, #tpu.memory_space<semaphore_mem>> -> memref<1x!tpu.dma_semaphore, #tpu.memory_space<semaphore_mem>>
        %dma_start3A_100 = tpu.memref_squeeze %dma_start3A_99 : memref<1x!tpu.dma_semaphore, #tpu.memory_space<semaphore_mem>> -> memref<!tpu.dma_semaphore, #tpu.memory_space<semaphore_mem>>
        %dma_start3A_101 = tpu.memref_slice %arg9[%mul3A_96] : memref<8000xi32, #tpu.memory_space<vmem>> -> memref<4000xi32, #tpu.memory_space<vmem>>
        %dma_start3A_102 = tpu.memref_slice %arg4[%mul3A_94] : memref<320000xi32, #tpu.memory_space<hbm>> -> memref<4000xi32, #tpu.memory_space<hbm>>
        tpu.enqueue_dma source(%dma_start3A_102 : memref<4000xi32, #tpu.memory_space<hbm>>) target(%dma_start3A_101 : memref<4000xi32, #tpu.memory_space<vmem>>) target_semaphore(%dma_start3A_100 : memref<!tpu.dma_semaphore, #tpu.memory_space<semaphore_mem>>)
      } else {
      }
      %mul3A_51 = arith.constant 4000 : i32
      %mul3A_52 = arith.muli %rem3A_46, %mul3A_51 : i32
      %dma_wait3A = tpu.memref_slice %arg8[%mul3A_52] : memref<8000xi32, #tpu.memory_space<vmem>> -> memref<4000xi32, #tpu.memory_space<vmem>>
      %dma_wait3A_53 = arith.constant 0 : i32
      %dma_wait3A_54 = tpu.memref_slice %arg3[%dma_wait3A_53] : memref<320000xi32, #tpu.memory_space<hbm>> -> memref<4000xi32, #tpu.memory_space<hbm>>
      %dma_wait3A_55 = tpu.memref_slice %arg11[%rem3A_46] : memref<2x!tpu.dma_semaphore, #tpu.memory_space<semaphore_mem>> -> memref<1x!tpu.dma_semaphore, #tpu.memory_space<semaphore_mem>>
      %dma_wait3A_56 = tpu.memref_squeeze %dma_wait3A_55 : memref<1x!tpu.dma_semaphore, #tpu.memory_space<semaphore_mem>> -> memref<!tpu.dma_semaphore, #tpu.memory_space<semaphore_mem>>
      %dma_wait3A_57 = tpu.memref_slice %arg8[%mul3A_52] : memref<8000xi32, #tpu.memory_space<vmem>> -> memref<4000xi32, #tpu.memory_space<vmem>>
      %dma_wait3A_58 = arith.constant 0 : i32
      %dma_wait3A_59 = tpu.memref_slice %arg3[%dma_wait3A_58] : memref<320000xi32, #tpu.memory_space<hbm>> -> memref<4000xi32, #tpu.memory_space<hbm>>
      tpu.wait_dma2 semaphore(%dma_wait3A_56 : memref<!tpu.dma_semaphore, #tpu.memory_space<semaphore_mem>>) src(%dma_wait3A_59 : memref<4000xi32, #tpu.memory_space<hbm>>) dst(%dma_wait3A_57 : memref<4000xi32, #tpu.memory_space<vmem>>)
      %mul3A_60 = arith.constant 4000 : i32
      %mul3A_61 = arith.muli %rem3A_46, %mul3A_60 : i32
      %dma_wait3A_62 = tpu.memref_slice %arg9[%mul3A_61] : memref<8000xi32, #tpu.memory_space<vmem>> -> memref<4000xi32, #tpu.memory_space<vmem>>
      %dma_wait3A_63 = arith.constant 0 : i32
      %dma_wait3A_64 = tpu.memref_slice %arg4[%dma_wait3A_63] : memref<320000xi32, #tpu.memory_space<hbm>> -> memref<4000xi32, #tpu.memory_space<hbm>>
      %dma_wait3A_65 = tpu.memref_slice %arg11[%rem3A_46] : memref<2x!tpu.dma_semaphore, #tpu.memory_space<semaphore_mem>> -> memref<1x!tpu.dma_semaphore, #tpu.memory_space<semaphore_mem>>
      %dma_wait3A_66 = tpu.memref_squeeze %dma_wait3A_65 : memref<1x!tpu.dma_semaphore, #tpu.memory_space<semaphore_mem>> -> memref<!tpu.dma_semaphore, #tpu.memory_space<semaphore_mem>>
      %dma_wait3A_67 = tpu.memref_slice %arg9[%mul3A_61] : memref<8000xi32, #tpu.memory_space<vmem>> -> memref<4000xi32, #tpu.memory_space<vmem>>
      %dma_wait3A_68 = arith.constant 0 : i32
      %dma_wait3A_69 = tpu.memref_slice %arg4[%dma_wait3A_68] : memref<320000xi32, #tpu.memory_space<hbm>> -> memref<4000xi32, #tpu.memory_space<hbm>>
      tpu.wait_dma2 semaphore(%dma_wait3A_66 : memref<!tpu.dma_semaphore, #tpu.memory_space<semaphore_mem>>) src(%dma_wait3A_69 : memref<4000xi32, #tpu.memory_space<hbm>>) dst(%dma_wait3A_67 : memref<4000xi32, #tpu.memory_space<vmem>>)
      %mul3A_70 = arith.constant 4000 : i32
      %mul3A_71 = arith.muli %rem3A_46, %mul3A_70 : i32
      %scan3A_72 = arith.constant 0 : i32
      %scan3A_73 = arith.constant 0 : i32
      %scan3A_74 = arith.constant 250 : i32
      %scan3A_75 = arith.addi %scan3A_73, %scan3A_74 : i32
      %scan3A_76 = arith.constant 2 : i32
      %scan3A_77 = scf.for %scan3A_80 = %scan3A_73 to %scan3A_75 step %scan3A_76 iter_args(%scan3A_81 = %scan3A_72) -> (i32)  : i32 {
        %mul3A_82 = arith.constant 16 : i32
        %mul3A_83 = arith.muli %scan3A_80, %mul3A_82 : i32
        %add3A_84 = arith.addi %mul3A_71, %mul3A_83 : i32
        %get3A = arith.index_cast %add3A_84 : i32 to index
        %get3A_85 = tpu.vector_load %arg8[%get3A] {strides = array<i32>} : memref<8000xi32, #tpu.memory_space<vmem>>, vector<16xi32>,
        %mul3A_86 = arith.constant 16 : i32
        %mul3A_87 = arith.muli %scan3A_80, %mul3A_86 : i32
        %add3A_88 = arith.addi %mul3A_71, %mul3A_87 : i32
        %get3A_89 = arith.index_cast %add3A_88 : i32 to index
        %get3A_90 = tpu.vector_load %arg9[%get3A_89] {strides = array<i32>} : memref<8000xi32, #tpu.memory_space<vmem>>, vector<16xi32>,
        %gather3A = tpu.vector_load_idx %arg6[%get3A_85] : memref<10000xf32, #tpu.memory_space<vmem>>[vector<16xi32>], vector<16xf32>,
        tpu.vector_store_idx %arg10[%get3A_90], %iota3A : memref<10000xi32, #tpu.memory_space<vmem>>[vector<16xi32>], vector<16xi32>,
        %gather3A_91 = tpu.vector_load_idx %arg10[%get3A_90] : memref<10000xi32, #tpu.memory_space<vmem>>[vector<16xi32>], vector<16xi32>,
        %eq3A = arith.cmpi eq, %gather3A_91, %iota3A : vector<16xi32>
        %reduce_and3A = arith.constant 1.000000e+00 : f32
        %reduce_and3A_92 = arith.constant 0.000000e+00 : f32
        %reduce_and3A_93 = vector.broadcast %reduce_and3A : f32 to vector<16xf32>
        %reduce_and3A_94 = vector.broadcast %reduce_and3A_92 : f32 to vector<16xf32>
        %reduce_and3A_95 = arith.select %eq3A, %reduce_and3A_93, %reduce_and3A_94 : vector<16xi1>, vector<16xf32>
        %reduce_and3A_96 = arith.constant true
        %reduce_and3A_97 = vector.broadcast %reduce_and3A_96 : i1 to vector<16xi1>
        %reduce_and3A_98 = tpu.scan <min>, %reduce_and3A_95 masked %reduce_and3A_97 : vector<16xf32>, vector<16xi1> -> vector<16xf32>
        %reduce_and3A_99 = vector.extract %reduce_and3A_98[15] : f32 from vector<16xf32>
        %reduce_and3A_100 = arith.constant 0.000000e+00 : f32
        %reduce_and3A_101 = arith.cmpf ogt, %reduce_and3A_99, %reduce_and3A_100 : f32
        %convert_element_type3A_102 = arith.extui %reduce_and3A_101 : i1 to i32
        %cond3A_103 = arith.constant 0 : i32
        %cond3A_104 = arith.cmpi ne, %convert_element_type3A_102, %cond3A_103 : i32
        scf.if %cond3A_104 {
          %gather3A_136 = tpu.vector_load_idx %arg7[%get3A_90] : memref<10000xf32, #tpu.memory_space<vmem>>[vector<16xi32>], vector<16xf32>,
          %max3A = arith.maximumf %gather3A_136, %gather3A : vector<16xf32>
          tpu.vector_store_idx %arg7[%get3A_90], %max3A : memref<10000xf32, #tpu.memory_space<vmem>>[vector<16xi32>], vector<16xf32>,
        } else {
          %broadcast_in_dim3A_136 = arith.constant true
          %broadcast_in_dim3A_137 = vector.broadcast %broadcast_in_dim3A_136 : i1 to vector<16xi1>
          %while3A = scf.while (%while3A_138 = %broadcast_in_dim3A_137) : (vector<16xi1>) -> vector<16xi1> {
            %reduce_or3A = arith.constant 1.000000e+00 : f32
            %reduce_or3A_139 = arith.constant 0.000000e+00 : f32
            %reduce_or3A_140 = vector.broadcast %reduce_or3A : f32 to vector<16xf32>
            %reduce_or3A_141 = vector.broadcast %reduce_or3A_139 : f32 to vector<16xf32>
            %reduce_or3A_142 = arith.select %while3A_138, %reduce_or3A_140, %reduce_or3A_141 : vector<16xi1>, vector<16xf32>
            %reduce_or3A_143 = arith.constant true
            %reduce_or3A_144 = vector.broadcast %reduce_or3A_143 : i1 to vector<16xi1>
            %reduce_or3A_145 = tpu.scan <max>, %reduce_or3A_142 masked %reduce_or3A_144 : vector<16xf32>, vector<16xi1> -> vector<16xf32>
            %reduce_or3A_146 = vector.extract %reduce_or3A_145[15] : f32 from vector<16xf32>
            %reduce_or3A_147 = arith.constant 0.000000e+00 : f32
            %reduce_or3A_148 = arith.cmpf ogt, %reduce_or3A_146, %reduce_or3A_147 : f32
            scf.condition(%reduce_or3A_148) %while3A_138 : vector<16xi1>
          } do {
          ^bb0(%while3A_138: vector<16xi1>):
            %broadcast_in_dim3A_139 = arith.constant false
            %broadcast_in_dim3A_140 = vector.broadcast %broadcast_in_dim3A_139 : i1 to vector<16xi1>
            %gather3A_141 = tpu.vector_load_idx %arg7[%get3A_90] : memref<10000xf32, #tpu.memory_space<vmem>>[vector<16xi32>], vector<16xf32>,
            %max3A = arith.maximumf %gather3A_141, %gather3A : vector<16xf32>
            tpu.vector_store_idx %arg7[%get3A_90], %max3A masked %while3A_138 : memref<10000xf32, #tpu.memory_space<vmem>>[vector<16xi32>], vector<16xf32>, vector<16xi1>
            %gather3A_142 = tpu.vector_load_idx %arg7[%get3A_90] : memref<10000xf32, #tpu.memory_space<vmem>>[vector<16xi32>], vector<16xf32>,
            %lt3A_143 = arith.cmpf olt, %gather3A_142, %gather3A : vector<16xf32>
            %or3A = arith.ori %broadcast_in_dim3A_140, %lt3A_143 : vector<16xi1>
            %and3A = arith.andi %while3A_138, %or3A : vector<16xi1>
            scf.yield %and3A : vector<16xi1>
          }
        }
        %scan3A_105 = arith.constant 0 : i32
        %scan3A_106 = arith.constant 1 : i32
        %scan3A_107 = arith.addi %scan3A_80, %scan3A_106 : i32
        %mul3A_108 = arith.constant 16 : i32
        %mul3A_109 = arith.muli %scan3A_107, %mul3A_108 : i32
        %add3A_110 = arith.addi %mul3A_71, %mul3A_109 : i32
        %get3A_111 = arith.index_cast %add3A_110 : i32 to index
        %get3A_112 = tpu.vector_load %arg8[%get3A_111] {strides = array<i32>} : memref<8000xi32, #tpu.memory_space<vmem>>, vector<16xi32>,
        %mul3A_113 = arith.constant 16 : i32
        %mul3A_114 = arith.muli %scan3A_107, %mul3A_113 : i32
        %add3A_115 = arith.addi %mul3A_71, %mul3A_114 : i32
        %get3A_116 = arith.index_cast %add3A_115 : i32 to index
        %get3A_117 = tpu.vector_load %arg9[%get3A_116] {strides = array<i32>} : memref<8000xi32, #tpu.memory_space<vmem>>, vector<16xi32>,
        %gather3A_118 = tpu.vector_load_idx %arg6[%get3A_112] : memref<10000xf32, #tpu.memory_space<vmem>>[vector<16xi32>], vector<16xf32>,
        tpu.vector_store_idx %arg10[%get3A_117], %iota3A : memref<10000xi32, #tpu.memory_space<vmem>>[vector<16xi32>], vector<16xi32>,
        %gather3A_119 = tpu.vector_load_idx %arg10[%get3A_117] : memref<10000xi32, #tpu.memory_space<vmem>>[vector<16xi32>], vector<16xi32>,
        %eq3A_120 = arith.cmpi eq, %gather3A_119, %iota3A : vector<16xi32>
        %reduce_and3A_121 = arith.constant 1.000000e+00 : f32
        %reduce_and3A_122 = arith.constant 0.000000e+00 : f32
        %reduce_and3A_123 = vector.broadcast %reduce_and3A_121 : f32 to vector<16xf32>
        %reduce_and3A_124 = vector.broadcast %reduce_and3A_122 : f32 to vector<16xf32>
        %reduce_and3A_125 = arith.select %eq3A_120, %reduce_and3A_123, %reduce_and3A_124 : vector<16xi1>, vector<16xf32>
        %reduce_and3A_126 = arith.constant true
        %reduce_and3A_127 = vector.broadcast %reduce_and3A_126 : i1 to vector<16xi1>
        %reduce_and3A_128 = tpu.scan <min>, %reduce_and3A_125 masked %reduce_and3A_127 : vector<16xf32>, vector<16xi1> -> vector<16xf32>
        %reduce_and3A_129 = vector.extract %reduce_and3A_128[15] : f32 from vector<16xf32>
        %reduce_and3A_130 = arith.constant 0.000000e+00 : f32
        %reduce_and3A_131 = arith.cmpf ogt, %reduce_and3A_129, %reduce_and3A_130 : f32
        %convert_element_type3A_132 = arith.extui %reduce_and3A_131 : i1 to i32
        %cond3A_133 = arith.constant 0 : i32
        %cond3A_134 = arith.cmpi ne, %convert_element_type3A_132, %cond3A_133 : i32
        scf.if %cond3A_134 {
          %gather3A_136 = tpu.vector_load_idx %arg7[%get3A_117] : memref<10000xf32, #tpu.memory_space<vmem>>[vector<16xi32>], vector<16xf32>,
          %max3A = arith.maximumf %gather3A_136, %gather3A_118 : vector<16xf32>
          tpu.vector_store_idx %arg7[%get3A_117], %max3A : memref<10000xf32, #tpu.memory_space<vmem>>[vector<16xi32>], vector<16xf32>,
        } else {
          %broadcast_in_dim3A_136 = arith.constant true
          %broadcast_in_dim3A_137 = vector.broadcast %broadcast_in_dim3A_136 : i1 to vector<16xi1>
          %while3A = scf.while (%while3A_138 = %broadcast_in_dim3A_137) : (vector<16xi1>) -> vector<16xi1> {
            %reduce_or3A = arith.constant 1.000000e+00 : f32
            %reduce_or3A_139 = arith.constant 0.000000e+00 : f32
            %reduce_or3A_140 = vector.broadcast %reduce_or3A : f32 to vector<16xf32>
            %reduce_or3A_141 = vector.broadcast %reduce_or3A_139 : f32 to vector<16xf32>
            %reduce_or3A_142 = arith.select %while3A_138, %reduce_or3A_140, %reduce_or3A_141 : vector<16xi1>, vector<16xf32>
            %reduce_or3A_143 = arith.constant true
            %reduce_or3A_144 = vector.broadcast %reduce_or3A_143 : i1 to vector<16xi1>
            %reduce_or3A_145 = tpu.scan <max>, %reduce_or3A_142 masked %reduce_or3A_144 : vector<16xf32>, vector<16xi1> -> vector<16xf32>
            %reduce_or3A_146 = vector.extract %reduce_or3A_145[15] : f32 from vector<16xf32>
            %reduce_or3A_147 = arith.constant 0.000000e+00 : f32
            %reduce_or3A_148 = arith.cmpf ogt, %reduce_or3A_146, %reduce_or3A_147 : f32
            scf.condition(%reduce_or3A_148) %while3A_138 : vector<16xi1>
          } do {
          ^bb0(%while3A_138: vector<16xi1>):
            %broadcast_in_dim3A_139 = arith.constant false
            %broadcast_in_dim3A_140 = vector.broadcast %broadcast_in_dim3A_139 : i1 to vector<16xi1>
            %gather3A_141 = tpu.vector_load_idx %arg7[%get3A_117] : memref<10000xf32, #tpu.memory_space<vmem>>[vector<16xi32>], vector<16xf32>,
            %max3A = arith.maximumf %gather3A_141, %gather3A_118 : vector<16xf32>
            tpu.vector_store_idx %arg7[%get3A_117], %max3A masked %while3A_138 : memref<10000xf32, #tpu.memory_space<vmem>>[vector<16xi32>], vector<16xf32>, vector<16xi1>
            %gather3A_142 = tpu.vector_load_idx %arg7[%get3A_117] : memref<10000xf32, #tpu.memory_space<vmem>>[vector<16xi32>], vector<16xf32>,
            %lt3A_143 = arith.cmpf olt, %gather3A_142, %gather3A_118 : vector<16xf32>
            %or3A = arith.ori %broadcast_in_dim3A_140, %lt3A_143 : vector<16xi1>
            %and3A = arith.andi %while3A_138, %or3A : vector<16xi1>
            scf.yield %and3A : vector<16xi1>
          }
        }
        %scan3A_135 = arith.constant 0 : i32
        scf.yield %scan3A_135 : i32
      }
      %scan3A_78 = arith.constant 250 : i32
      %scan3A_79 = arith.constant 0 : i32
      scf.yield %scan3A_79 : i32
    }
    %scan3A_43 = arith.constant 80 : i32
    "tpu.region"() ({
      %run_scoped3A = tpu.sem_alloc : memref<!tpu.dma_semaphore, #tpu.memory_space<semaphore_mem>>
      %dma_start3A_44 = tpu.memref_slice %arg5[%mul3A_2] : memref<320000xf32, #tpu.memory_space<hbm>> -> memref<10000xf32, #tpu.memory_space<hbm>>
      %dma_start3A_45 = tpu.memref_slice %arg5[%mul3A_2] : memref<320000xf32, #tpu.memory_space<hbm>> -> memref<10000xf32, #tpu.memory_space<hbm>>
      tpu.enqueue_dma source(%arg7 : memref<10000xf32, #tpu.memory_space<vmem>>) target(%dma_start3A_45 : memref<10000xf32, #tpu.memory_space<hbm>>) target_semaphore(%run_scoped3A : memref<!tpu.dma_semaphore, #tpu.memory_space<semaphore_mem>>)
      %dma_wait3A = tpu.memref_slice %arg5[%mul3A_2] : memref<320000xf32, #tpu.memory_space<hbm>> -> memref<10000xf32, #tpu.memory_space<hbm>>
      %dma_wait3A_46 = tpu.memref_slice %arg5[%mul3A_2] : memref<320000xf32, #tpu.memory_space<hbm>> -> memref<10000xf32, #tpu.memory_space<hbm>>
      tpu.wait_dma2 semaphore(%run_scoped3A : memref<!tpu.dma_semaphore, #tpu.memory_space<semaphore_mem>>) src(%arg7 : memref<10000xf32, #tpu.memory_space<vmem>>) dst(%dma_wait3A_46 : memref<10000xf32, #tpu.memory_space<hbm>>)
      tpu.yield
    }) : () -> ()
    return
  }
}

#map = affine_map<(d0, d1) -> (0)>
module attributes {stable_mosaic.version = 14 : i64} {
  func.func @body(%arg0: i32, %arg1: i32, %arg2: memref<320000xf32, #tpu.memory_space<hbm>>, %arg3: memref<320000xi32, #tpu.memory_space<hbm>>, %arg4: memref<320000xi32, #tpu.memory_space<hbm>>, %arg5: memref<320000xf32, #tpu.memory_space<hbm>>, %arg6: memref<10000xf32, #tpu.memory_space<vmem>>, %arg7: memref<10000xf32, #tpu.memory_space<vmem>>, %arg8: memref<8000xi32, #tpu.memory_space<vmem>>, %arg9: memref<8000xi32, #tpu.memory_space<vmem>>, %arg10: memref<10000xi32, #tpu.memory_space<vmem>>, %arg11: memref<2x!tpu.dma_semaphore, #tpu.memory_space<semaphore_mem>>) attributes {dimension_semantics = [#tpu.dimension_semantics<core_parallel>, #tpu.dimension_semantics<subcore_parallel>], iteration_bounds = array<i64: 2, 16>, scalar_prefetch = 0 : i64, scratch_operands = 6 : i64, tpu.core_type = #tpu.core_type<sc_vector_subcore>, window_params = [{transform_indices = #map}, {transform_indices = #map}, {transform_indices = #map}, {transform_indices = #map}]} {
    %mul3A = arith.constant 2 : i32
    %mul3A_0 = arith.muli %arg1, %mul3A : i32
    %add3A = arith.addi %mul3A_0, %arg0 : i32
    %mul3A_1 = arith.constant 10000 : i32
    %mul3A_2 = arith.muli %add3A, %mul3A_1 : i32
    "tpu.region"() ({
      %run_scoped3A = tpu.sem_alloc : memref<!tpu.dma_semaphore, #tpu.memory_space<semaphore_mem>>
      %dma_start3A_44 = tpu.memref_slice %arg2[%mul3A_2] : memref<320000xf32, #tpu.memory_space<hbm>> -> memref<10000xf32, #tpu.memory_space<hbm>>
      %dma_start3A_45 = tpu.memref_slice %arg2[%mul3A_2] : memref<320000xf32, #tpu.memory_space<hbm>> -> memref<10000xf32, #tpu.memory_space<hbm>>
      tpu.enqueue_dma source(%dma_start3A_45 : memref<10000xf32, #tpu.memory_space<hbm>>) target(%arg6 : memref<10000xf32, #tpu.memory_space<vmem>>) target_semaphore(%run_scoped3A : memref<!tpu.dma_semaphore, #tpu.memory_space<semaphore_mem>>)
      %dma_wait3A = tpu.memref_slice %arg2[%mul3A_2] : memref<320000xf32, #tpu.memory_space<hbm>> -> memref<10000xf32, #tpu.memory_space<hbm>>
      %dma_wait3A_46 = tpu.memref_slice %arg2[%mul3A_2] : memref<320000xf32, #tpu.memory_space<hbm>> -> memref<10000xf32, #tpu.memory_space<hbm>>
      tpu.wait_dma2 semaphore(%run_scoped3A : memref<!tpu.dma_semaphore, #tpu.memory_space<semaphore_mem>>) src(%dma_wait3A_46 : memref<10000xf32, #tpu.memory_space<hbm>>) dst(%arg6 : memref<10000xf32, #tpu.memory_space<vmem>>)
      tpu.yield
    }) : () -> ()
    %scan3A = arith.constant 0 : i32
    %scan3A_3 = arith.constant 0 : i32
    %scan3A_4 = arith.constant 624 : i32
    %scan3A_5 = arith.addi %scan3A_3, %scan3A_4 : i32
    %scan3A_6 = arith.constant 4 : i32
    %scan3A_7 = scf.for %scan3A_44 = %scan3A_3 to %scan3A_5 step %scan3A_6 iter_args(%scan3A_45 = %scan3A) -> (i32)  : i32 {
      %broadcast_in_dim3A_46 = arith.constant 0.000000e+00 : f32
      %broadcast_in_dim3A_47 = vector.broadcast %broadcast_in_dim3A_46 : f32 to vector<16xf32>
      %mul3A_48 = arith.constant 16 : i32
      %mul3A_49 = arith.muli %scan3A_44, %mul3A_48 : i32
      %swap3A_50 = arith.index_cast %mul3A_49 : i32 to index
      %swap3A_51 = tpu.vector_load %arg7[%swap3A_50] {strides = array<i32>} : memref<10000xf32, #tpu.memory_space<vmem>>, vector<16xf32>,
      tpu.vector_store %arg7[%swap3A_50], %broadcast_in_dim3A_47 {strides = array<i32>} : memref<10000xf32, #tpu.memory_space<vmem>>, vector<16xf32>,
      %scan3A_52 = arith.constant 0 : i32
      %scan3A_53 = arith.constant 1 : i32
      %scan3A_54 = arith.addi %scan3A_44, %scan3A_53 : i32
      %broadcast_in_dim3A_55 = arith.constant 0.000000e+00 : f32
      %broadcast_in_dim3A_56 = vector.broadcast %broadcast_in_dim3A_55 : f32 to vector<16xf32>
      %mul3A_57 = arith.constant 16 : i32
      %mul3A_58 = arith.muli %scan3A_54, %mul3A_57 : i32
      %swap3A_59 = arith.index_cast %mul3A_58 : i32 to index
      %swap3A_60 = tpu.vector_load %arg7[%swap3A_59] {strides = array<i32>} : memref<10000xf32, #tpu.memory_space<vmem>>, vector<16xf32>,
      tpu.vector_store %arg7[%swap3A_59], %broadcast_in_dim3A_56 {strides = array<i32>} : memref<10000xf32, #tpu.memory_space<vmem>>, vector<16xf32>,
      %scan3A_61 = arith.constant 0 : i32
      %scan3A_62 = arith.constant 2 : i32
      %scan3A_63 = arith.addi %scan3A_44, %scan3A_62 : i32
      %broadcast_in_dim3A_64 = arith.constant 0.000000e+00 : f32
      %broadcast_in_dim3A_65 = vector.broadcast %broadcast_in_dim3A_64 : f32 to vector<16xf32>
      %mul3A_66 = arith.constant 16 : i32
      %mul3A_67 = arith.muli %scan3A_63, %mul3A_66 : i32
      %swap3A_68 = arith.index_cast %mul3A_67 : i32 to index
      %swap3A_69 = tpu.vector_load %arg7[%swap3A_68] {strides = array<i32>} : memref<10000xf32, #tpu.memory_space<vmem>>, vector<16xf32>,
      tpu.vector_store %arg7[%swap3A_68], %broadcast_in_dim3A_65 {strides = array<i32>} : memref<10000xf32, #tpu.memory_space<vmem>>, vector<16xf32>,
      %scan3A_70 = arith.constant 0 : i32
      %scan3A_71 = arith.constant 3 : i32
      %scan3A_72 = arith.addi %scan3A_44, %scan3A_71 : i32
      %broadcast_in_dim3A_73 = arith.constant 0.000000e+00 : f32
      %broadcast_in_dim3A_74 = vector.broadcast %broadcast_in_dim3A_73 : f32 to vector<16xf32>
      %mul3A_75 = arith.constant 16 : i32
      %mul3A_76 = arith.muli %scan3A_72, %mul3A_75 : i32
      %swap3A_77 = arith.index_cast %mul3A_76 : i32 to index
      %swap3A_78 = tpu.vector_load %arg7[%swap3A_77] {strides = array<i32>} : memref<10000xf32, #tpu.memory_space<vmem>>, vector<16xf32>,
      tpu.vector_store %arg7[%swap3A_77], %broadcast_in_dim3A_74 {strides = array<i32>} : memref<10000xf32, #tpu.memory_space<vmem>>, vector<16xf32>,
      %scan3A_79 = arith.constant 0 : i32
      scf.yield %scan3A_79 : i32
    }
    %scan3A_8 = arith.constant 624 : i32
    %scan3A_9 = arith.addi %scan3A_3, %scan3A_8 : i32
    %broadcast_in_dim3A = arith.constant 0.000000e+00 : f32
    %broadcast_in_dim3A_10 = vector.broadcast %broadcast_in_dim3A : f32 to vector<16xf32>
    %mul3A_11 = arith.constant 16 : i32
    %mul3A_12 = arith.muli %scan3A_9, %mul3A_11 : i32
    %swap3A = arith.index_cast %mul3A_12 : i32 to index
    %swap3A_13 = tpu.vector_load %arg7[%swap3A] {strides = array<i32>} : memref<10000xf32, #tpu.memory_space<vmem>>, vector<16xf32>,
    tpu.vector_store %arg7[%swap3A], %broadcast_in_dim3A_10 {strides = array<i32>} : memref<10000xf32, #tpu.memory_space<vmem>>, vector<16xf32>,
    %scan3A_14 = arith.constant 0 : i32
    %scan3A_15 = arith.constant 625 : i32
    %iota3A = tpu.iota {dimensions = array<i32: 0>} : vector<16xi32>
    %dma_start3A = arith.constant 0 : i32
    %dma_start3A_16 = arith.constant 0 : i32
    %dma_start3A_17 = tpu.memref_slice %arg8[%dma_start3A_16] : memref<8000xi32, #tpu.memory_space<vmem>> -> memref<4000xi32, #tpu.memory_space<vmem>>
    %dma_start3A_18 = arith.constant 0 : i32
    %dma_start3A_19 = tpu.memref_slice %arg3[%dma_start3A_18] : memref<320000xi32, #tpu.memory_space<hbm>> -> memref<4000xi32, #tpu.memory_space<hbm>>
    %dma_start3A_20 = tpu.memref_slice %arg11[%dma_start3A] : memref<2x!tpu.dma_semaphore, #tpu.memory_space<semaphore_mem>> -> memref<1x!tpu.dma_semaphore, #tpu.memory_space<semaphore_mem>>
    %dma_start3A_21 = tpu.memref_squeeze %dma_start3A_20 : memref<1x!tpu.dma_semaphore, #tpu.memory_space<semaphore_mem>> -> memref<!tpu.dma_semaphore, #tpu.memory_space<semaphore_mem>>
    %dma_start3A_22 = arith.constant 0 : i32
    %dma_start3A_23 = tpu.memref_slice %arg8[%dma_start3A_22] : memref<8000xi32, #tpu.memory_space<vmem>> -> memref<4000xi32, #tpu.memory_space<vmem>>
    %dma_start3A_24 = arith.constant 0 : i32
    %dma_start3A_25 = tpu.memref_slice %arg3[%dma_start3A_24] : memref<320000xi32, #tpu.memory_space<hbm>> -> memref<4000xi32, #tpu.memory_space<hbm>>
    tpu.enqueue_dma source(%dma_start3A_25 : memref<4000xi32, #tpu.memory_space<hbm>>) target(%dma_start3A_23 : memref<4000xi32, #tpu.memory_space<vmem>>) target_semaphore(%dma_start3A_21 : memref<!tpu.dma_semaphore, #tpu.memory_space<semaphore_mem>>)
    %dma_start3A_26 = arith.constant 0 : i32
    %dma_start3A_27 = arith.constant 0 : i32
    %dma_start3A_28 = tpu.memref_slice %arg9[%dma_start3A_27] : memref<8000xi32, #tpu.memory_space<vmem>> -> memref<4000xi32, #tpu.memory_space<vmem>>
    %dma_start3A_29 = arith.constant 0 : i32
    %dma_start3A_30 = tpu.memref_slice %arg4[%dma_start3A_29] : memref<320000xi32, #tpu.memory_space<hbm>> -> memref<4000xi32, #tpu.memory_space<hbm>>
    %dma_start3A_31 = tpu.memref_slice %arg11[%dma_start3A_26] : memref<2x!tpu.dma_semaphore, #tpu.memory_space<semaphore_mem>> -> memref<1x!tpu.dma_semaphore, #tpu.memory_space<semaphore_mem>>
    %dma_start3A_32 = tpu.memref_squeeze %dma_start3A_31 : memref<1x!tpu.dma_semaphore, #tpu.memory_space<semaphore_mem>> -> memref<!tpu.dma_semaphore, #tpu.memory_space<semaphore_mem>>
    %dma_start3A_33 = arith.constant 0 : i32
    %dma_start3A_34 = tpu.memref_slice %arg9[%dma_start3A_33] : memref<8000xi32, #tpu.memory_space<vmem>> -> memref<4000xi32, #tpu.memory_space<vmem>>
    %dma_start3A_35 = arith.constant 0 : i32
    %dma_start3A_36 = tpu.memref_slice %arg4[%dma_start3A_35] : memref<320000xi32, #tpu.memory_space<hbm>> -> memref<4000xi32, #tpu.memory_space<hbm>>
    tpu.enqueue_dma source(%dma_start3A_36 : memref<4000xi32, #tpu.memory_space<hbm>>) target(%dma_start3A_34 : memref<4000xi32, #tpu.memory_space<vmem>>) target_semaphore(%dma_start3A_32 : memref<!tpu.dma_semaphore, #tpu.memory_space<semaphore_mem>>)
    %scan3A_37 = arith.constant 0 : i32
    %scan3A_38 = arith.constant 0 : i32
    %scan3A_39 = arith.constant 80 : i32
    %scan3A_40 = arith.addi %scan3A_38, %scan3A_39 : i32
    %scan3A_41 = arith.constant 1 : i32
    %scan3A_42 = scf.for %scan3A_44 = %scan3A_38 to %scan3A_40 step %scan3A_41 iter_args(%scan3A_45 = %scan3A_37) -> (i32)  : i32 {
      %rem3A = arith.constant 2 : i32
      %rem3A_46 = arith.remsi %scan3A_44, %rem3A : i32
      %add3A_47 = arith.constant 1 : i32
      %add3A_48 = arith.addi %scan3A_44, %add3A_47 : i32
      %lt3A = arith.constant 80 : i32
      %lt3A_49 = arith.cmpi slt, %add3A_48, %lt3A : i32
      %convert_element_type3A = arith.extui %lt3A_49 : i1 to i32
      %cond3A = arith.constant 0 : i32
      %cond3A_50 = arith.cmpi ne, %convert_element_type3A, %cond3A : i32
      scf.if %cond3A_50 {
        %add3A_80 = arith.constant 1 : i32
        %add3A_81 = arith.addi %scan3A_44, %add3A_80 : i32
        %sub3A = arith.constant 1 : i32
        %sub3A_82 = arith.subi %sub3A, %rem3A_46 : i32
        %mul3A_83 = arith.constant 4000 : i32
        %mul3A_84 = arith.muli %add3A_81, %mul3A_83 : i32
        %mul3A_85 = arith.constant 4000 : i32
        %mul3A_86 = arith.muli %sub3A_82, %mul3A_85 : i32
        %dma_start3A_87 = tpu.memref_slice %arg8[%mul3A_86] : memref<8000xi32, #tpu.memory_space<vmem>> -> memref<4000xi32, #tpu.memory_space<vmem>>
        %dma_start3A_88 = tpu.memref_slice %arg3[%mul3A_84] : memref<320000xi32, #tpu.memory_space<hbm>> -> memref<4000xi32, #tpu.memory_space<hbm>>
        %dma_start3A_89 = tpu.memref_slice %arg11[%sub3A_82] : memref<2x!tpu.dma_semaphore, #tpu.memory_space<semaphore_mem>> -> memref<1x!tpu.dma_semaphore, #tpu.memory_space<semaphore_mem>>
        %dma_start3A_90 = tpu.memref_squeeze %dma_start3A_89 : memref<1x!tpu.dma_semaphore, #tpu.memory_space<semaphore_mem>> -> memref<!tpu.dma_semaphore, #tpu.memory_space<semaphore_mem>>
        %dma_start3A_91 = tpu.memref_slice %arg8[%mul3A_86] : memref<8000xi32, #tpu.memory_space<vmem>> -> memref<4000xi32, #tpu.memory_space<vmem>>
        %dma_start3A_92 = tpu.memref_slice %arg3[%mul3A_84] : memref<320000xi32, #tpu.memory_space<hbm>> -> memref<4000xi32, #tpu.memory_space<hbm>>
        tpu.enqueue_dma source(%dma_start3A_92 : memref<4000xi32, #tpu.memory_space<hbm>>) target(%dma_start3A_91 : memref<4000xi32, #tpu.memory_space<vmem>>) target_semaphore(%dma_start3A_90 : memref<!tpu.dma_semaphore, #tpu.memory_space<semaphore_mem>>)
        %mul3A_93 = arith.constant 4000 : i32
        %mul3A_94 = arith.muli %add3A_81, %mul3A_93 : i32
        %mul3A_95 = arith.constant 4000 : i32
        %mul3A_96 = arith.muli %sub3A_82, %mul3A_95 : i32
        %dma_start3A_97 = tpu.memref_slice %arg9[%mul3A_96] : memref<8000xi32, #tpu.memory_space<vmem>> -> memref<4000xi32, #tpu.memory_space<vmem>>
        %dma_start3A_98 = tpu.memref_slice %arg4[%mul3A_94] : memref<320000xi32, #tpu.memory_space<hbm>> -> memref<4000xi32, #tpu.memory_space<hbm>>
        %dma_start3A_99 = tpu.memref_slice %arg11[%sub3A_82] : memref<2x!tpu.dma_semaphore, #tpu.memory_space<semaphore_mem>> -> memref<1x!tpu.dma_semaphore, #tpu.memory_space<semaphore_mem>>
        %dma_start3A_100 = tpu.memref_squeeze %dma_start3A_99 : memref<1x!tpu.dma_semaphore, #tpu.memory_space<semaphore_mem>> -> memref<!tpu.dma_semaphore, #tpu.memory_space<semaphore_mem>>
        %dma_start3A_101 = tpu.memref_slice %arg9[%mul3A_96] : memref<8000xi32, #tpu.memory_space<vmem>> -> memref<4000xi32, #tpu.memory_space<vmem>>
        %dma_start3A_102 = tpu.memref_slice %arg4[%mul3A_94] : memref<320000xi32, #tpu.memory_space<hbm>> -> memref<4000xi32, #tpu.memory_space<hbm>>
        tpu.enqueue_dma source(%dma_start3A_102 : memref<4000xi32, #tpu.memory_space<hbm>>) target(%dma_start3A_101 : memref<4000xi32, #tpu.memory_space<vmem>>) target_semaphore(%dma_start3A_100 : memref<!tpu.dma_semaphore, #tpu.memory_space<semaphore_mem>>)
      } else {
      }
      %mul3A_51 = arith.constant 4000 : i32
      %mul3A_52 = arith.muli %rem3A_46, %mul3A_51 : i32
      %dma_wait3A = tpu.memref_slice %arg8[%mul3A_52] : memref<8000xi32, #tpu.memory_space<vmem>> -> memref<4000xi32, #tpu.memory_space<vmem>>
      %dma_wait3A_53 = arith.constant 0 : i32
      %dma_wait3A_54 = tpu.memref_slice %arg3[%dma_wait3A_53] : memref<320000xi32, #tpu.memory_space<hbm>> -> memref<4000xi32, #tpu.memory_space<hbm>>
      %dma_wait3A_55 = tpu.memref_slice %arg11[%rem3A_46] : memref<2x!tpu.dma_semaphore, #tpu.memory_space<semaphore_mem>> -> memref<1x!tpu.dma_semaphore, #tpu.memory_space<semaphore_mem>>
      %dma_wait3A_56 = tpu.memref_squeeze %dma_wait3A_55 : memref<1x!tpu.dma_semaphore, #tpu.memory_space<semaphore_mem>> -> memref<!tpu.dma_semaphore, #tpu.memory_space<semaphore_mem>>
      %dma_wait3A_57 = tpu.memref_slice %arg8[%mul3A_52] : memref<8000xi32, #tpu.memory_space<vmem>> -> memref<4000xi32, #tpu.memory_space<vmem>>
      %dma_wait3A_58 = arith.constant 0 : i32
      %dma_wait3A_59 = tpu.memref_slice %arg3[%dma_wait3A_58] : memref<320000xi32, #tpu.memory_space<hbm>> -> memref<4000xi32, #tpu.memory_space<hbm>>
      tpu.wait_dma2 semaphore(%dma_wait3A_56 : memref<!tpu.dma_semaphore, #tpu.memory_space<semaphore_mem>>) src(%dma_wait3A_59 : memref<4000xi32, #tpu.memory_space<hbm>>) dst(%dma_wait3A_57 : memref<4000xi32, #tpu.memory_space<vmem>>)
      %mul3A_60 = arith.constant 4000 : i32
      %mul3A_61 = arith.muli %rem3A_46, %mul3A_60 : i32
      %dma_wait3A_62 = tpu.memref_slice %arg9[%mul3A_61] : memref<8000xi32, #tpu.memory_space<vmem>> -> memref<4000xi32, #tpu.memory_space<vmem>>
      %dma_wait3A_63 = arith.constant 0 : i32
      %dma_wait3A_64 = tpu.memref_slice %arg4[%dma_wait3A_63] : memref<320000xi32, #tpu.memory_space<hbm>> -> memref<4000xi32, #tpu.memory_space<hbm>>
      %dma_wait3A_65 = tpu.memref_slice %arg11[%rem3A_46] : memref<2x!tpu.dma_semaphore, #tpu.memory_space<semaphore_mem>> -> memref<1x!tpu.dma_semaphore, #tpu.memory_space<semaphore_mem>>
      %dma_wait3A_66 = tpu.memref_squeeze %dma_wait3A_65 : memref<1x!tpu.dma_semaphore, #tpu.memory_space<semaphore_mem>> -> memref<!tpu.dma_semaphore, #tpu.memory_space<semaphore_mem>>
      %dma_wait3A_67 = tpu.memref_slice %arg9[%mul3A_61] : memref<8000xi32, #tpu.memory_space<vmem>> -> memref<4000xi32, #tpu.memory_space<vmem>>
      %dma_wait3A_68 = arith.constant 0 : i32
      %dma_wait3A_69 = tpu.memref_slice %arg4[%dma_wait3A_68] : memref<320000xi32, #tpu.memory_space<hbm>> -> memref<4000xi32, #tpu.memory_space<hbm>>
      tpu.wait_dma2 semaphore(%dma_wait3A_66 : memref<!tpu.dma_semaphore, #tpu.memory_space<semaphore_mem>>) src(%dma_wait3A_69 : memref<4000xi32, #tpu.memory_space<hbm>>) dst(%dma_wait3A_67 : memref<4000xi32, #tpu.memory_space<vmem>>)
      %mul3A_70 = arith.constant 4000 : i32
      %mul3A_71 = arith.muli %rem3A_46, %mul3A_70 : i32
      %scan3A_72 = arith.constant 0 : i32
      %scan3A_73 = arith.constant 0 : i32
      %scan3A_74 = arith.constant 250 : i32
      %scan3A_75 = arith.addi %scan3A_73, %scan3A_74 : i32
      %scan3A_76 = arith.constant 2 : i32
      %scan3A_77 = scf.for %scan3A_80 = %scan3A_73 to %scan3A_75 step %scan3A_76 iter_args(%scan3A_81 = %scan3A_72) -> (i32)  : i32 {
        %mul3A_82 = arith.constant 16 : i32
        %mul3A_83 = arith.muli %scan3A_80, %mul3A_82 : i32
        %add3A_84 = arith.addi %mul3A_71, %mul3A_83 : i32
        %get3A = arith.index_cast %add3A_84 : i32 to index
        %get3A_85 = tpu.vector_load %arg8[%get3A] {strides = array<i32>} : memref<8000xi32, #tpu.memory_space<vmem>>, vector<16xi32>,
        %mul3A_86 = arith.constant 16 : i32
        %mul3A_87 = arith.muli %scan3A_80, %mul3A_86 : i32
        %add3A_88 = arith.addi %mul3A_71, %mul3A_87 : i32
        %get3A_89 = arith.index_cast %add3A_88 : i32 to index
        %get3A_90 = tpu.vector_load %arg9[%get3A_89] {strides = array<i32>} : memref<8000xi32, #tpu.memory_space<vmem>>, vector<16xi32>,
        %gather3A = tpu.vector_load_idx %arg6[%get3A_85] : memref<10000xf32, #tpu.memory_space<vmem>>[vector<16xi32>], vector<16xf32>,
        tpu.vector_store_idx %arg10[%get3A_90], %iota3A : memref<10000xi32, #tpu.memory_space<vmem>>[vector<16xi32>], vector<16xi32>,
        %gather3A_91 = tpu.vector_load_idx %arg10[%get3A_90] : memref<10000xi32, #tpu.memory_space<vmem>>[vector<16xi32>], vector<16xi32>,
        %eq3A = arith.cmpi eq, %gather3A_91, %iota3A : vector<16xi32>
        %reduce_and3A = arith.constant 1.000000e+00 : f32
        %reduce_and3A_92 = arith.constant 0.000000e+00 : f32
        %reduce_and3A_93 = vector.broadcast %reduce_and3A : f32 to vector<16xf32>
        %reduce_and3A_94 = vector.broadcast %reduce_and3A_92 : f32 to vector<16xf32>
        %reduce_and3A_95 = arith.select %eq3A, %reduce_and3A_93, %reduce_and3A_94 : vector<16xi1>, vector<16xf32>
        %reduce_and3A_96 = arith.constant true
        %reduce_and3A_97 = vector.broadcast %reduce_and3A_96 : i1 to vector<16xi1>
        %reduce_and3A_98 = tpu.scan <min>, %reduce_and3A_95 masked %reduce_and3A_97 : vector<16xf32>, vector<16xi1> -> vector<16xf32>
        %reduce_and3A_99 = vector.extract %reduce_and3A_98[15] : f32 from vector<16xf32>
        %reduce_and3A_100 = arith.constant 0.000000e+00 : f32
        %reduce_and3A_101 = arith.cmpf ogt, %reduce_and3A_99, %reduce_and3A_100 : f32
        %convert_element_type3A_102 = arith.extui %reduce_and3A_101 : i1 to i32
        %cond3A_103 = arith.constant 0 : i32
        %cond3A_104 = arith.cmpi ne, %convert_element_type3A_102, %cond3A_103 : i32
        scf.if %cond3A_104 {
          %gather3A_136 = tpu.vector_load_idx %arg7[%get3A_90] : memref<10000xf32, #tpu.memory_space<vmem>>[vector<16xi32>], vector<16xf32>,
          %max3A = arith.maximumf %gather3A_136, %gather3A : vector<16xf32>
          tpu.vector_store_idx %arg7[%get3A_90], %max3A : memref<10000xf32, #tpu.memory_space<vmem>>[vector<16xi32>], vector<16xf32>,
        } else {
          %broadcast_in_dim3A_136 = arith.constant true
          %broadcast_in_dim3A_137 = vector.broadcast %broadcast_in_dim3A_136 : i1 to vector<16xi1>
          %while3A = scf.while (%while3A_138 = %broadcast_in_dim3A_137) : (vector<16xi1>) -> vector<16xi1> {
            %reduce_or3A = arith.constant 1.000000e+00 : f32
            %reduce_or3A_139 = arith.constant 0.000000e+00 : f32
            %reduce_or3A_140 = vector.broadcast %reduce_or3A : f32 to vector<16xf32>
            %reduce_or3A_141 = vector.broadcast %reduce_or3A_139 : f32 to vector<16xf32>
            %reduce_or3A_142 = arith.select %while3A_138, %reduce_or3A_140, %reduce_or3A_141 : vector<16xi1>, vector<16xf32>
            %reduce_or3A_143 = arith.constant true
            %reduce_or3A_144 = vector.broadcast %reduce_or3A_143 : i1 to vector<16xi1>
            %reduce_or3A_145 = tpu.scan <max>, %reduce_or3A_142 masked %reduce_or3A_144 : vector<16xf32>, vector<16xi1> -> vector<16xf32>
            %reduce_or3A_146 = vector.extract %reduce_or3A_145[15] : f32 from vector<16xf32>
            %reduce_or3A_147 = arith.constant 0.000000e+00 : f32
            %reduce_or3A_148 = arith.cmpf ogt, %reduce_or3A_146, %reduce_or3A_147 : f32
            scf.condition(%reduce_or3A_148) %while3A_138 : vector<16xi1>
          } do {
          ^bb0(%while3A_138: vector<16xi1>):
            %broadcast_in_dim3A_139 = arith.constant false
            %broadcast_in_dim3A_140 = vector.broadcast %broadcast_in_dim3A_139 : i1 to vector<16xi1>
            %gather3A_141 = tpu.vector_load_idx %arg7[%get3A_90] : memref<10000xf32, #tpu.memory_space<vmem>>[vector<16xi32>], vector<16xf32>,
            %max3A = arith.maximumf %gather3A_141, %gather3A : vector<16xf32>
            tpu.vector_store_idx %arg7[%get3A_90], %max3A masked %while3A_138 : memref<10000xf32, #tpu.memory_space<vmem>>[vector<16xi32>], vector<16xf32>, vector<16xi1>
            %gather3A_142 = tpu.vector_load_idx %arg7[%get3A_90] : memref<10000xf32, #tpu.memory_space<vmem>>[vector<16xi32>], vector<16xf32>,
            %lt3A_143 = arith.cmpf olt, %gather3A_142, %gather3A : vector<16xf32>
            %or3A = arith.ori %broadcast_in_dim3A_140, %lt3A_143 : vector<16xi1>
            %and3A = arith.andi %while3A_138, %or3A : vector<16xi1>
            scf.yield %and3A : vector<16xi1>
          }
        }
        %scan3A_105 = arith.constant 0 : i32
        %scan3A_106 = arith.constant 1 : i32
        %scan3A_107 = arith.addi %scan3A_80, %scan3A_106 : i32
        %mul3A_108 = arith.constant 16 : i32
        %mul3A_109 = arith.muli %scan3A_107, %mul3A_108 : i32
        %add3A_110 = arith.addi %mul3A_71, %mul3A_109 : i32
        %get3A_111 = arith.index_cast %add3A_110 : i32 to index
        %get3A_112 = tpu.vector_load %arg8[%get3A_111] {strides = array<i32>} : memref<8000xi32, #tpu.memory_space<vmem>>, vector<16xi32>,
        %mul3A_113 = arith.constant 16 : i32
        %mul3A_114 = arith.muli %scan3A_107, %mul3A_113 : i32
        %add3A_115 = arith.addi %mul3A_71, %mul3A_114 : i32
        %get3A_116 = arith.index_cast %add3A_115 : i32 to index
        %get3A_117 = tpu.vector_load %arg9[%get3A_116] {strides = array<i32>} : memref<8000xi32, #tpu.memory_space<vmem>>, vector<16xi32>,
        %gather3A_118 = tpu.vector_load_idx %arg6[%get3A_112] : memref<10000xf32, #tpu.memory_space<vmem>>[vector<16xi32>], vector<16xf32>,
        tpu.vector_store_idx %arg10[%get3A_117], %iota3A : memref<10000xi32, #tpu.memory_space<vmem>>[vector<16xi32>], vector<16xi32>,
        %gather3A_119 = tpu.vector_load_idx %arg10[%get3A_117] : memref<10000xi32, #tpu.memory_space<vmem>>[vector<16xi32>], vector<16xi32>,
        %eq3A_120 = arith.cmpi eq, %gather3A_119, %iota3A : vector<16xi32>
        %reduce_and3A_121 = arith.constant 1.000000e+00 : f32
        %reduce_and3A_122 = arith.constant 0.000000e+00 : f32
        %reduce_and3A_123 = vector.broadcast %reduce_and3A_121 : f32 to vector<16xf32>
        %reduce_and3A_124 = vector.broadcast %reduce_and3A_122 : f32 to vector<16xf32>
        %reduce_and3A_125 = arith.select %eq3A_120, %reduce_and3A_123, %reduce_and3A_124 : vector<16xi1>, vector<16xf32>
        %reduce_and3A_126 = arith.constant true
        %reduce_and3A_127 = vector.broadcast %reduce_and3A_126 : i1 to vector<16xi1>
        %reduce_and3A_128 = tpu.scan <min>, %reduce_and3A_125 masked %reduce_and3A_127 : vector<16xf32>, vector<16xi1> -> vector<16xf32>
        %reduce_and3A_129 = vector.extract %reduce_and3A_128[15] : f32 from vector<16xf32>
        %reduce_and3A_130 = arith.constant 0.000000e+00 : f32
        %reduce_and3A_131 = arith.cmpf ogt, %reduce_and3A_129, %reduce_and3A_130 : f32
        %convert_element_type3A_132 = arith.extui %reduce_and3A_131 : i1 to i32
        %cond3A_133 = arith.constant 0 : i32
        %cond3A_134 = arith.cmpi ne, %convert_element_type3A_132, %cond3A_133 : i32
        scf.if %cond3A_134 {
          %gather3A_136 = tpu.vector_load_idx %arg7[%get3A_117] : memref<10000xf32, #tpu.memory_space<vmem>>[vector<16xi32>], vector<16xf32>,
          %max3A = arith.maximumf %gather3A_136, %gather3A_118 : vector<16xf32>
          tpu.vector_store_idx %arg7[%get3A_117], %max3A : memref<10000xf32, #tpu.memory_space<vmem>>[vector<16xi32>], vector<16xf32>,
        } else {
          %broadcast_in_dim3A_136 = arith.constant true
          %broadcast_in_dim3A_137 = vector.broadcast %broadcast_in_dim3A_136 : i1 to vector<16xi1>
          %while3A = scf.while (%while3A_138 = %broadcast_in_dim3A_137) : (vector<16xi1>) -> vector<16xi1> {
            %reduce_or3A = arith.constant 1.000000e+00 : f32
            %reduce_or3A_139 = arith.constant 0.000000e+00 : f32
            %reduce_or3A_140 = vector.broadcast %reduce_or3A : f32 to vector<16xf32>
            %reduce_or3A_141 = vector.broadcast %reduce_or3A_139 : f32 to vector<16xf32>
            %reduce_or3A_142 = arith.select %while3A_138, %reduce_or3A_140, %reduce_or3A_141 : vector<16xi1>, vector<16xf32>
            %reduce_or3A_143 = arith.constant true
            %reduce_or3A_144 = vector.broadcast %reduce_or3A_143 : i1 to vector<16xi1>
            %reduce_or3A_145 = tpu.scan <max>, %reduce_or3A_142 masked %reduce_or3A_144 : vector<16xf32>, vector<16xi1> -> vector<16xf32>
            %reduce_or3A_146 = vector.extract %reduce_or3A_145[15] : f32 from vector<16xf32>
            %reduce_or3A_147 = arith.constant 0.000000e+00 : f32
            %reduce_or3A_148 = arith.cmpf ogt, %reduce_or3A_146, %reduce_or3A_147 : f32
            scf.condition(%reduce_or3A_148) %while3A_138 : vector<16xi1>
          } do {
          ^bb0(%while3A_138: vector<16xi1>):
            %broadcast_in_dim3A_139 = arith.constant false
            %broadcast_in_dim3A_140 = vector.broadcast %broadcast_in_dim3A_139 : i1 to vector<16xi1>
            %gather3A_141 = tpu.vector_load_idx %arg7[%get3A_117] : memref<10000xf32, #tpu.memory_space<vmem>>[vector<16xi32>], vector<16xf32>,
            %max3A = arith.maximumf %gather3A_141, %gather3A_118 : vector<16xf32>
            tpu.vector_store_idx %arg7[%get3A_117], %max3A masked %while3A_138 : memref<10000xf32, #tpu.memory_space<vmem>>[vector<16xi32>], vector<16xf32>, vector<16xi1>
            %gather3A_142 = tpu.vector_load_idx %arg7[%get3A_117] : memref<10000xf32, #tpu.memory_space<vmem>>[vector<16xi32>], vector<16xf32>,
            %lt3A_143 = arith.cmpf olt, %gather3A_142, %gather3A_118 : vector<16xf32>
            %or3A = arith.ori %broadcast_in_dim3A_140, %lt3A_143 : vector<16xi1>
            %and3A = arith.andi %while3A_138, %or3A : vector<16xi1>
            scf.yield %and3A : vector<16xi1>
          }
        }
        %scan3A_135 = arith.constant 0 : i32
        scf.yield %scan3A_135 : i32
      }
      %scan3A_78 = arith.constant 250 : i32
      %scan3A_79 = arith.constant 0 : i32
      scf.yield %scan3A_79 : i32
    }
    %scan3A_43 = arith.constant 80 : i32
    "tpu.region"() ({
      %run_scoped3A = tpu.sem_alloc : memref<!tpu.dma_semaphore, #tpu.memory_space<semaphore_mem>>
      %dma_start3A_44 = tpu.memref_slice %arg5[%mul3A_2] : memref<320000xf32, #tpu.memory_space<hbm>> -> memref<10000xf32, #tpu.memory_space<hbm>>
      %dma_start3A_45 = tpu.memref_slice %arg5[%mul3A_2] : memref<320000xf32, #tpu.memory_space<hbm>> -> memref<10000xf32, #tpu.memory_space<hbm>>
      tpu.enqueue_dma source(%arg7 : memref<10000xf32, #tpu.memory_space<vmem>>) target(%dma_start3A_45 : memref<10000xf32, #tpu.memory_space<hbm>>) target_semaphore(%run_scoped3A : memref<!tpu.dma_semaphore, #tpu.memory_space<semaphore_mem>>)
      %dma_wait3A = tpu.memref_slice %arg5[%mul3A_2] : memref<320000xf32, #tpu.memory_space<hbm>> -> memref<10000xf32, #tpu.memory_space<hbm>>
      %dma_wait3A_46 = tpu.memref_slice %arg5[%mul3A_2] : memref<320000xf32, #tpu.memory_space<hbm>> -> memref<10000xf32, #tpu.memory_space<hbm>>
      tpu.wait_dma2 semaphore(%run_scoped3A : memref<!tpu.dma_semaphore, #tpu.memory_space<semaphore_mem>>) src(%arg7 : memref<10000xf32, #tpu.memory_space<vmem>>) dst(%dma_wait3A_46 : memref<10000xf32, #tpu.memory_space<hbm>>)
      tpu.yield
    }) : () -> ()
    return
  }
}

module attributes {stable_mosaic.version = 14 : i64} {
  func.func @_tc_pool_body(%arg0: memref<10000x128xf32, #tpu.memory_space<vmem>>, %arg1: memref<128x128xf32, #tpu.memory_space<vmem>>, %arg2: memref<128x1xf32, #tpu.memory_space<vmem>>, %arg3: memref<128x10000xf32, #tpu.memory_space<vmem>>) attributes {dimension_semantics = [], scalar_prefetch = 0 : i64, scratch_operands = 0 : i64, tpu.core_type = #tpu.core_type<tc>} {
    %get3A = arith.constant 0 : index
    %get3A_0 = arith.constant 0 : index
    %get3A_1 = vector.load %arg1[%get3A, %get3A_0] : memref<128x128xf32, #tpu.memory_space<vmem>>, vector<128x128xf32>
    %get3A_2 = arith.constant 0 : index
    %get3A_3 = arith.constant 0 : index
    %get3A_4 = vector.load %arg0[%get3A_2, %get3A_3] : memref<10000x128xf32, #tpu.memory_space<vmem>>, vector<10000x128xf32>
    %dot_general3A = arith.constant dense<0.000000e+00> : vector<128x10000xf32>
    %dot_general3A_5 = tpu.matmul %get3A_1, %get3A_4, %dot_general3A {dimension_numbers = #tpu.dot_dimension_numbers<[0], [1], [1], [0], [0, 1, 1, 0], [], []>, transpose_lhs_hint = false} : vector<128x128xf32>, vector<10000x128xf32>, vector<128x10000xf32> -> vector<128x10000xf32>
    %get3A_6 = arith.constant 0 : index
    %get3A_7 = arith.constant 0 : index
    %get3A_8 = vector.load %arg2[%get3A_6, %get3A_7] : memref<128x1xf32, #tpu.memory_space<vmem>>, vector<128x1xf32>
    %add3A = vector.broadcast %get3A_8 : vector<128x1xf32> to vector<128x10000xf32>
    %add3A_9 = arith.addf %dot_general3A_5, %add3A : vector<128x10000xf32>
    %max3A = arith.constant 0.000000e+00 : f32
    %max3A_10 = vector.broadcast %max3A : f32 to vector<128x10000xf32>
    %max3A_11 = arith.maximumf %add3A_9, %max3A_10 : vector<128x10000xf32>
    %swap3A = arith.constant 0 : index
    %swap3A_12 = arith.constant 0 : index
    %swap3A_13 = vector.load %arg3[%swap3A, %swap3A_12] : memref<128x10000xf32, #tpu.memory_space<vmem>>, vector<128x10000xf32>
    tpu.vector_store %arg3[%swap3A, %swap3A_12], %max3A_11 {strides = array<i32>} : memref<128x10000xf32, #tpu.memory_space<vmem>>, vector<128x10000xf32>,
    return
  }
}

module attributes {stable_mosaic.version = 14 : i64} {
  func.func @_tc_mid_body(%arg0: memref<10000x128xf32, #tpu.memory_space<vmem>>, %arg1: memref<128x10000xf32, #tpu.memory_space<vmem>>, %arg2: memref<128x32xf32, #tpu.memory_space<vmem>>, %arg3: memref<128x32xf32, #tpu.memory_space<vmem>>, %arg4: memref<1x32xf32, #tpu.memory_space<vmem>>, %arg5: memref<32x32xf32, #tpu.memory_space<vmem>>, %arg6: memref<32x1xf32, #tpu.memory_space<vmem>>, %arg7: memref<10000x32xf32, #tpu.memory_space<vmem>>, %arg8: memref<32x10000xf32, #tpu.memory_space<vmem>>) attributes {dimension_semantics = [], scalar_prefetch = 0 : i64, scratch_operands = 0 : i64, tpu.core_type = #tpu.core_type<tc>} {
    %get3A = arith.constant 0 : index
    %get3A_0 = arith.constant 0 : index
    %get3A_1 = vector.load %arg0[%get3A, %get3A_0] : memref<10000x128xf32, #tpu.memory_space<vmem>>, vector<10000x128xf32>
    %get3A_2 = arith.constant 0 : index
    %get3A_3 = arith.constant 0 : index
    %get3A_4 = vector.load %arg2[%get3A_2, %get3A_3] : memref<128x32xf32, #tpu.memory_space<vmem>>, vector<128x32xf32>
    %dot_general3A = arith.constant dense<0.000000e+00> : vector<10000x32xf32>
    %dot_general3A_5 = tpu.matmul %get3A_1, %get3A_4, %dot_general3A {dimension_numbers = #tpu.dot_dimension_numbers<[1], [0], [0], [1], [0, 0, 1, 1], [], []>, transpose_lhs_hint = false} : vector<10000x128xf32>, vector<128x32xf32>, vector<10000x32xf32> -> vector<10000x32xf32>
    %get3A_6 = arith.constant 0 : index
    %get3A_7 = arith.constant 0 : index
    %get3A_8 = vector.load %arg1[%get3A_6, %get3A_7] : memref<128x10000xf32, #tpu.memory_space<vmem>>, vector<128x10000xf32>
    %get3A_9 = arith.constant 0 : index
    %get3A_10 = arith.constant 0 : index
    %get3A_11 = vector.load %arg3[%get3A_9, %get3A_10] : memref<128x32xf32, #tpu.memory_space<vmem>>, vector<128x32xf32>
    %dot_general3A_12 = arith.constant dense<0.000000e+00> : vector<10000x32xf32>
    %dot_general3A_13 = tpu.matmul %get3A_8, %get3A_11, %dot_general3A_12 {dimension_numbers = #tpu.dot_dimension_numbers<[0], [0], [1], [1], [0, 1, 1, 1], [], []>, transpose_lhs_hint = false} : vector<128x10000xf32>, vector<128x32xf32>, vector<10000x32xf32> -> vector<10000x32xf32>
    %add3A = arith.addf %dot_general3A_5, %dot_general3A_13 : vector<10000x32xf32>
    %get3A_14 = arith.constant 0 : index
    %get3A_15 = arith.constant 0 : index
    %get3A_16 = vector.load %arg4[%get3A_14, %get3A_15] : memref<1x32xf32, #tpu.memory_space<vmem>>, vector<1x32xf32>
    %add3A_17 = vector.broadcast %get3A_16 : vector<1x32xf32> to vector<10000x32xf32>
    %add3A_18 = arith.addf %add3A, %add3A_17 : vector<10000x32xf32>
    %max3A = arith.constant 0.000000e+00 : f32
    %max3A_19 = vector.broadcast %max3A : f32 to vector<10000x32xf32>
    %max3A_20 = arith.maximumf %add3A_18, %max3A_19 : vector<10000x32xf32>
    %swap3A = arith.constant 0 : index
    %swap3A_21 = arith.constant 0 : index
    %swap3A_22 = vector.load %arg7[%swap3A, %swap3A_21] : memref<10000x32xf32, #tpu.memory_space<vmem>>, vector<10000x32xf32>
    tpu.vector_store %arg7[%swap3A, %swap3A_21], %max3A_20 {strides = array<i32>} : memref<10000x32xf32, #tpu.memory_space<vmem>>, vector<10000x32xf32>,
    %get3A_23 = arith.constant 0 : index
    %get3A_24 = arith.constant 0 : index
    %get3A_25 = vector.load %arg5[%get3A_23, %get3A_24] : memref<32x32xf32, #tpu.memory_space<vmem>>, vector<32x32xf32>
    %dot_general3A_26 = arith.constant dense<0.000000e+00> : vector<32x10000xf32>
    %dot_general3A_27 = tpu.matmul %get3A_25, %max3A_20, %dot_general3A_26 {dimension_numbers = #tpu.dot_dimension_numbers<[0], [1], [1], [0], [0, 1, 1, 0], [], []>, transpose_lhs_hint = false} : vector<32x32xf32>, vector<10000x32xf32>, vector<32x10000xf32> -> vector<32x10000xf32>
    %get3A_28 = arith.constant 0 : index
    %get3A_29 = arith.constant 0 : index
    %get3A_30 = vector.load %arg6[%get3A_28, %get3A_29] : memref<32x1xf32, #tpu.memory_space<vmem>>, vector<32x1xf32>
    %add3A_31 = vector.broadcast %get3A_30 : vector<32x1xf32> to vector<32x10000xf32>
    %add3A_32 = arith.addf %dot_general3A_27, %add3A_31 : vector<32x10000xf32>
    %max3A_33 = arith.constant 0.000000e+00 : f32
    %max3A_34 = vector.broadcast %max3A_33 : f32 to vector<32x10000xf32>
    %max3A_35 = arith.maximumf %add3A_32, %max3A_34 : vector<32x10000xf32>
    %swap3A_36 = arith.constant 0 : index
    %swap3A_37 = arith.constant 0 : index
    %swap3A_38 = vector.load %arg8[%swap3A_36, %swap3A_37] : memref<32x10000xf32, #tpu.memory_space<vmem>>, vector<32x10000xf32>
    tpu.vector_store %arg8[%swap3A_36, %swap3A_37], %max3A_35 {strides = array<i32>} : memref<32x10000xf32, #tpu.memory_space<vmem>>, vector<32x10000xf32>,
    return
  }
}

module attributes {stable_mosaic.version = 14 : i64} {
  func.func @_tc_mid_body(%arg0: memref<10000x32xf32, #tpu.memory_space<vmem>>, %arg1: memref<32x10000xf32, #tpu.memory_space<vmem>>, %arg2: memref<32x32xf32, #tpu.memory_space<vmem>>, %arg3: memref<32x32xf32, #tpu.memory_space<vmem>>, %arg4: memref<1x32xf32, #tpu.memory_space<vmem>>, %arg5: memref<32x32xf32, #tpu.memory_space<vmem>>, %arg6: memref<32x1xf32, #tpu.memory_space<vmem>>, %arg7: memref<10000x32xf32, #tpu.memory_space<vmem>>, %arg8: memref<32x10000xf32, #tpu.memory_space<vmem>>) attributes {dimension_semantics = [], scalar_prefetch = 0 : i64, scratch_operands = 0 : i64, tpu.core_type = #tpu.core_type<tc>} {
    %get3A = arith.constant 0 : index
    %get3A_0 = arith.constant 0 : index
    %get3A_1 = vector.load %arg0[%get3A, %get3A_0] : memref<10000x32xf32, #tpu.memory_space<vmem>>, vector<10000x32xf32>
    %get3A_2 = arith.constant 0 : index
    %get3A_3 = arith.constant 0 : index
    %get3A_4 = vector.load %arg2[%get3A_2, %get3A_3] : memref<32x32xf32, #tpu.memory_space<vmem>>, vector<32x32xf32>
    %dot_general3A = arith.constant dense<0.000000e+00> : vector<10000x32xf32>
    %dot_general3A_5 = tpu.matmul %get3A_1, %get3A_4, %dot_general3A {dimension_numbers = #tpu.dot_dimension_numbers<[1], [0], [0], [1], [0, 0, 1, 1], [], []>, transpose_lhs_hint = false} : vector<10000x32xf32>, vector<32x32xf32>, vector<10000x32xf32> -> vector<10000x32xf32>
    %get3A_6 = arith.constant 0 : index
    %get3A_7 = arith.constant 0 : index
    %get3A_8 = vector.load %arg1[%get3A_6, %get3A_7] : memref<32x10000xf32, #tpu.memory_space<vmem>>, vector<32x10000xf32>
    %get3A_9 = arith.constant 0 : index
    %get3A_10 = arith.constant 0 : index
    %get3A_11 = vector.load %arg3[%get3A_9, %get3A_10] : memref<32x32xf32, #tpu.memory_space<vmem>>, vector<32x32xf32>
    %dot_general3A_12 = arith.constant dense<0.000000e+00> : vector<10000x32xf32>
    %dot_general3A_13 = tpu.matmul %get3A_8, %get3A_11, %dot_general3A_12 {dimension_numbers = #tpu.dot_dimension_numbers<[0], [0], [1], [1], [0, 1, 1, 1], [], []>, transpose_lhs_hint = false} : vector<32x10000xf32>, vector<32x32xf32>, vector<10000x32xf32> -> vector<10000x32xf32>
    %add3A = arith.addf %dot_general3A_5, %dot_general3A_13 : vector<10000x32xf32>
    %get3A_14 = arith.constant 0 : index
    %get3A_15 = arith.constant 0 : index
    %get3A_16 = vector.load %arg4[%get3A_14, %get3A_15] : memref<1x32xf32, #tpu.memory_space<vmem>>, vector<1x32xf32>
    %add3A_17 = vector.broadcast %get3A_16 : vector<1x32xf32> to vector<10000x32xf32>
    %add3A_18 = arith.addf %add3A, %add3A_17 : vector<10000x32xf32>
    %max3A = arith.constant 0.000000e+00 : f32
    %max3A_19 = vector.broadcast %max3A : f32 to vector<10000x32xf32>
    %max3A_20 = arith.maximumf %add3A_18, %max3A_19 : vector<10000x32xf32>
    %swap3A = arith.constant 0 : index
    %swap3A_21 = arith.constant 0 : index
    %swap3A_22 = vector.load %arg7[%swap3A, %swap3A_21] : memref<10000x32xf32, #tpu.memory_space<vmem>>, vector<10000x32xf32>
    tpu.vector_store %arg7[%swap3A, %swap3A_21], %max3A_20 {strides = array<i32>} : memref<10000x32xf32, #tpu.memory_space<vmem>>, vector<10000x32xf32>,
    %get3A_23 = arith.constant 0 : index
    %get3A_24 = arith.constant 0 : index
    %get3A_25 = vector.load %arg5[%get3A_23, %get3A_24] : memref<32x32xf32, #tpu.memory_space<vmem>>, vector<32x32xf32>
    %dot_general3A_26 = arith.constant dense<0.000000e+00> : vector<32x10000xf32>
    %dot_general3A_27 = tpu.matmul %get3A_25, %max3A_20, %dot_general3A_26 {dimension_numbers = #tpu.dot_dimension_numbers<[0], [1], [1], [0], [0, 1, 1, 0], [], []>, transpose_lhs_hint = false} : vector<32x32xf32>, vector<10000x32xf32>, vector<32x10000xf32> -> vector<32x10000xf32>
    %get3A_28 = arith.constant 0 : index
    %get3A_29 = arith.constant 0 : index
    %get3A_30 = vector.load %arg6[%get3A_28, %get3A_29] : memref<32x1xf32, #tpu.memory_space<vmem>>, vector<32x1xf32>
    %add3A_31 = vector.broadcast %get3A_30 : vector<32x1xf32> to vector<32x10000xf32>
    %add3A_32 = arith.addf %dot_general3A_27, %add3A_31 : vector<32x10000xf32>
    %max3A_33 = arith.constant 0.000000e+00 : f32
    %max3A_34 = vector.broadcast %max3A_33 : f32 to vector<32x10000xf32>
    %max3A_35 = arith.maximumf %add3A_32, %max3A_34 : vector<32x10000xf32>
    %swap3A_36 = arith.constant 0 : index
    %swap3A_37 = arith.constant 0 : index
    %swap3A_38 = vector.load %arg8[%swap3A_36, %swap3A_37] : memref<32x10000xf32, #tpu.memory_space<vmem>>, vector<32x10000xf32>
    tpu.vector_store %arg8[%swap3A_36, %swap3A_37], %max3A_35 {strides = array<i32>} : memref<32x10000xf32, #tpu.memory_space<vmem>>, vector<32x10000xf32>,
    return
  }
}

module attributes {stable_mosaic.version = 14 : i64} {
  func.func @_tc_final_body(%arg0: memref<10000x32xf32, #tpu.memory_space<vmem>>, %arg1: memref<32x10000xf32, #tpu.memory_space<vmem>>, %arg2: memref<32x22xf32, #tpu.memory_space<vmem>>, %arg3: memref<32x22xf32, #tpu.memory_space<vmem>>, %arg4: memref<1x22xf32, #tpu.memory_space<vmem>>, %arg5: memref<10000x22xf32, #tpu.memory_space<vmem>>) attributes {dimension_semantics = [], scalar_prefetch = 0 : i64, scratch_operands = 0 : i64, tpu.core_type = #tpu.core_type<tc>} {
    %get3A = arith.constant 0 : index
    %get3A_0 = arith.constant 0 : index
    %get3A_1 = vector.load %arg0[%get3A, %get3A_0] : memref<10000x32xf32, #tpu.memory_space<vmem>>, vector<10000x32xf32>
    %get3A_2 = arith.constant 0 : index
    %get3A_3 = arith.constant 0 : index
    %get3A_4 = vector.load %arg2[%get3A_2, %get3A_3] : memref<32x22xf32, #tpu.memory_space<vmem>>, vector<32x22xf32>
    %dot_general3A = arith.constant dense<0.000000e+00> : vector<10000x22xf32>
    %dot_general3A_5 = tpu.matmul %get3A_1, %get3A_4, %dot_general3A {dimension_numbers = #tpu.dot_dimension_numbers<[1], [0], [0], [1], [0, 0, 1, 1], [], []>, transpose_lhs_hint = false} : vector<10000x32xf32>, vector<32x22xf32>, vector<10000x22xf32> -> vector<10000x22xf32>
    %get3A_6 = arith.constant 0 : index
    %get3A_7 = arith.constant 0 : index
    %get3A_8 = vector.load %arg1[%get3A_6, %get3A_7] : memref<32x10000xf32, #tpu.memory_space<vmem>>, vector<32x10000xf32>
    %get3A_9 = arith.constant 0 : index
    %get3A_10 = arith.constant 0 : index
    %get3A_11 = vector.load %arg3[%get3A_9, %get3A_10] : memref<32x22xf32, #tpu.memory_space<vmem>>, vector<32x22xf32>
    %dot_general3A_12 = arith.constant dense<0.000000e+00> : vector<10000x22xf32>
    %dot_general3A_13 = tpu.matmul %get3A_8, %get3A_11, %dot_general3A_12 {dimension_numbers = #tpu.dot_dimension_numbers<[0], [0], [1], [1], [0, 1, 1, 1], [], []>, transpose_lhs_hint = false} : vector<32x10000xf32>, vector<32x22xf32>, vector<10000x22xf32> -> vector<10000x22xf32>
    %add3A = arith.addf %dot_general3A_5, %dot_general3A_13 : vector<10000x22xf32>
    %get3A_14 = arith.constant 0 : index
    %get3A_15 = arith.constant 0 : index
    %get3A_16 = vector.load %arg4[%get3A_14, %get3A_15] : memref<1x22xf32, #tpu.memory_space<vmem>>, vector<1x22xf32>
    %add3A_17 = vector.broadcast %get3A_16 : vector<1x22xf32> to vector<10000x22xf32>
    %add3A_18 = arith.addf %add3A, %add3A_17 : vector<10000x22xf32>
    %neg3A = arith.constant 0.000000e+00 : f32
    %neg3A_19 = vector.broadcast %neg3A : f32 to vector<10000x22xf32>
    %neg3A_20 = arith.subf %neg3A_19, %add3A_18 : vector<10000x22xf32>
    %exp3A = math.exp %neg3A_20 : vector<10000x22xf32>
    %add3A_21 = arith.constant 1.000000e+00 : f32
    %add3A_22 = vector.broadcast %add3A_21 : f32 to vector<10000x22xf32>
    %add3A_23 = arith.addf %add3A_22, %exp3A : vector<10000x22xf32>
    %div3A = arith.constant 1.000000e+00 : f32
    %div3A_24 = vector.broadcast %div3A : f32 to vector<10000x22xf32>
    %div3A_25 = arith.divf %div3A_24, %add3A_23 : vector<10000x22xf32>
    %swap3A = arith.constant 0 : index
    %swap3A_26 = arith.constant 0 : index
    %swap3A_27 = vector.load %arg5[%swap3A, %swap3A_26] : memref<10000x22xf32, #tpu.memory_space<vmem>>, vector<10000x22xf32>
    tpu.vector_store %arg5[%swap3A, %swap3A_26], %div3A_25 {strides = array<i32>} : memref<10000x22xf32, #tpu.memory_space<vmem>>, vector<10000x22xf32>,
    return
  }
}

</mosaic_0001>

<sc_bundles>
// kernel: kernel.12.cloned.1.call-start
scs
__scs_entry_jumppad:
0x0: {  	(pc) =	sbr.rel $0x88, $3  }
0x1: {  	(tag) =	ssettag $0x0;
	lr =	simm.s32 $0x1  }
0x2: {  	[smem:$0x3F90] =	sst lr;
	_ =	strace $0xD0000000  }
0x3: {  	_ = 	snop  }
0x4: {  	_ = 	snop  }
0x5: {  	_ = 	snop  }
0x6: {  	_ = 	snop  }
0x7: {  	_ = 	snop  }
__scs_overlays_trampoline_lowered:
0x8: {  	[smem:$0x3F9F] =	sst s0  }
0x9: {  	[smem:$0x3FA0] =	sst s1  }
0xa: {  	[smem:$0x3FA1] =	sst s2  }
0xb: {  	[smem:$0x3FA2] =	sst s3  }
0xc: {  	[smem:$0x3FA3] =	sst s4  }
0xd: {  	[smem:$0x3FA4] =	sst s5  }
0xe: {  	[smem:$0x3FA5] =	sst s6  }
0xf: {  	[smem:$0x3FA6] =	sst s7  }
0x10: {  	[smem:$0x3FA7] =	sst s8  }
0x11: {  	[smem:$0x3FA8] =	sst s9;
	s0 =	simm.s32 @!p0 $0x0  }
0x12: {  	s1 =	sld [smem:$0x3F8E];
	s0 =	simm.s32 @p0 $0x1  }
0x13: {  	[smem:$0x3FA9] =	sst s0;
	s0 =	simm.s32 @!p1 $0x0  }
0x14: {  	s2 =	sld [smem:$0x3F8D];
	s0 =	simm.s32 @p1 $0x1  }
0x15: {  	[smem:$0x3FAA] =	sst s0;
	s0 =	simm.s32 @!p2 $0x0  }
0x16: {  	s3 =	sld [smem:$0x3FDB];
	s0 =	simm.s32 @p2 $0x1  }
0x17: {  	s4 =	simm.s32 $0x1BF5;
	[smem:$0x3FAC] =	sst s0  }
0x18: {  	s0 =	sld [smem:$0x3F8F];
	_ =	swait.ge [sflag:s4], $0x0  }
0x19: {  	s7 =	sld [smem:$0x3F90]  }
0x1a: {  	s8 =	sadd.s32 $0xFFFFE003, lr  }
0x1b: {  	s9 =	sadd.s32 $0xFFFFFEF7, lr;
	s5 =	simm.s32 $0xFFFFFFFF;
	p2 =	slt.u32 s8, $0xFFFFF086  }
0x1c: {  	p1 =	slt.u32 s9, $0xF7A;
	s5 =	simm.s32 @!p2 $0x0  }
0x1d: {  	s5 =	simm.s32 @p1 $0x1;
	p0 =	seq.s32 s7, s2  }
0x1e: {  	s7 =	smul.u32 @!p0 $0xF7A, s2;
	p2 =	seq.s32 @!p0 s5, $0x0  }
0x1f: {  	s9 =	smul.u32 $0xF7A, s1;
	s8 =	simm.s32 @!p0 $0x1BF5;
	p2 =	por !p2, p0  }
0x20: {  	[sflag:s8] =	ssyncset.s32 @!p0 $0xFFFFF086;
	s6 =	sadd.s32 @!p0 s3, s7;
	s7 =	simm.s32 @!p0 $0x108  }
0x21: {  	s3 =	sadd.s32 s3, s9;
	s6 =	sadd.s32 @!p0 $0x88, s6;
	s7 =	simm.s32 @p2 $0x1082  }
0x22: {  	[simem:s7], [sflag:s8] =	dma.local @!p0 [hbm:s6], $0xF7A  }
0x23: {  	s9 =	sor.u32 $0xD0000000, s2;
	s6 =	simm.s32 $0x108;
	_ =	swait.ge @!p0 [sflag:s8], $0x0  }
0x24: {  	s3 =	sadd.s32 $0x88, s3;
	s6 =	simm.s32 @!p1 $0x1082;
	[sflag:s4] =	ssyncset.s32 $0xFFFFF086  }
0x25: {  	[simem:s6], [sflag:s4] =	dma.local [hbm:s3], $0xF7A  }
0x26: {  	[smem:$0x3F90] =	sst s1;
	(tag) =	ssettag s2;
	_ =	strace s9  }
0x27: {  	s1 =	sld [smem:$0x3FA0]  }
0x28: {  	s2 =	sld [smem:$0x3FA1]  }
0x29: {  	s4 =	sld [smem:$0x3FA3]  }
0x2a: {  	p0 =	seq.s32 s5, $0x0;
	s5 =	sld [smem:$0x3FA4]  }
0x2b: {  	s6 =	sld [smem:$0x3FA5]  }
0x2c: {  	s7 =	sld [smem:$0x3FA6]  }
0x2d: {  	s3 =	simm.s32 $0x108;
	s8 =	sld [smem:$0x3FA7]  }
0x2e: {  	s3 =	simm.s32 @!p0 $0x1082;
	s9 =	sld [smem:$0x3FA8]  }
0x2f: {  	lr =	sadd.s32 s0, s3;
	s0 =	sld [smem:$0x3F9F]  }
0x30: {  	s3 =	sld [smem:$0x3FA2]  }
0x31: {  	[smem:$0x3FAB] =	sst s10  }
0x32: {  	s10 =	sld [smem:$0x3FA9];
	_ =	sdelay $0x3  }
0x33: {  	p0 =	seq.s32 s10, $0x1;
	s10 =	sld [smem:$0x3FAB];
	_ =	sdelay $0x3  }
0x34: {  	[smem:$0x3FAB] =	sst s10  }
0x35: {  	s10 =	sld [smem:$0x3FAA];
	_ =	sdelay $0x3  }
0x36: {  	p1 =	seq.s32 s10, $0x1;
	s10 =	sld [smem:$0x3FAB];
	_ =	sdelay $0x3  }
0x37: {  	[smem:$0x3FAB] =	sst s10  }
0x38: {  	s10 =	sld [smem:$0x3FAC]  }
0x39: {  	_ = 	snop;
	(pc) =	sbr.ind lr, $3  }
0x3a: {  	_ = 	snop  }
0x3b: {  	_ = 	snop  }
0x3c: {  	p2 =	seq.s32 s10, $0x1;
	s10 =	sld [smem:$0x3FAB]  }
0x3d: {  	_ =	shalt  }
0x3e: {  	_ =	shalt  }
0x3f: {  	_ =	shalt  }
0x40: {  	_ =	shalt  }
0x41: {  	_ =	shalt  }
0x42: {  	_ =	shalt  }
0x43: {  	_ =	shalt  }
0x44: {  	_ =	shalt  }
0x45: {  	_ =	shalt  }
0x46: {  	_ =	shalt  }
0x47: {  	_ =	shalt  }
0x48: {  	_ =	shalt  }
0x49: {  	_ =	shalt  }
0x4a: {  	_ =	shalt  }
0x4b: {  	_ =	shalt  }
0x4c: {  	_ =	shalt  }
0x4d: {  	_ =	shalt  }
0x4e: {  	_ =	shalt  }
0x4f: {  	_ =	shalt  }
0x50: {  	_ =	shalt  }
0x51: {  	_ =	shalt  }
0x52: {  	_ =	shalt  }
0x53: {  	_ =	shalt  }
0x54: {  	_ =	shalt  }
0x55: {  	_ =	shalt  }
0x56: {  	_ =	shalt  }
0x57: {  	_ =	shalt  }
0x58: {  	_ =	shalt  }
0x59: {  	_ =	shalt  }
0x5a: {  	_ =	shalt  }
0x5b: {  	_ =	shalt  }
0x5c: {  	_ =	shalt  }
0x5d: {  	_ =	shalt  }
0x5e: {  	_ =	shalt  }
0x5f: {  	_ =	shalt  }
0x60: {  	_ =	shalt  }
0x61: {  	_ =	shalt  }
0x62: {  	_ =	shalt  }
0x63: {  	_ =	shalt  }
0x64: {  	_ =	shalt  }
0x65: {  	_ =	shalt  }
0x66: {  	_ =	shalt  }
0x67: {  	_ =	shalt  }
0x68: {  	_ =	shalt  }
0x69: {  	_ =	shalt  }
0x6a: {  	_ =	shalt  }
0x6b: {  	_ =	shalt  }
0x6c: {  	_ =	shalt  }
0x6d: {  	_ =	shalt  }
0x6e: {  	_ =	shalt  }
0x6f: {  	_ =	shalt  }
0x70: {  	_ =	shalt  }
0x71: {  	_ =	shalt  }
0x72: {  	_ =	shalt  }
0x73: {  	_ =	shalt  }
0x74: {  	_ =	shalt  }
0x75: {  	_ =	shalt  }
0x76: {  	_ =	shalt  }
0x77: {  	_ =	shalt  }
0x78: {  	_ =	shalt  }
0x79: {  	_ =	shalt  }
0x7a: {  	_ =	shalt  }
0x7b: {  	_ =	shalt  }
0x7c: {  	_ =	shalt  }
0x7d: {  	_ =	shalt  }
0x7e: {  	_ =	shalt  }
0x7f: {  	_ =	shalt  }
0x80: {  	_ =	shalt  }
0x81: {  	_ =	shalt  }
0x82: {  	_ =	shalt  }
0x83: {  	_ =	shalt  }
0x84: {  	_ =	shalt  }
0x85: {  	_ =	shalt  }
0x86: {  	_ =	shalt  }
0x87: {  	_ =	shalt  }
.Lfunc_end0:
.L_simem_size_0:
called_computation.1_lowered:
.L_overlay_start_0:
0x88: {  	s2 =	sld [smem:$0x3FD9]  }
0x89: {  	s3 =	sld [smem:$0x3FFE];
	_ =	sdelay $0x1  }
0x8a: {  	s1 =	srdreg.scid  }
0x8b: {  	s0 =	sand.u32 $0x1, s1  }
0x8c: {  	s16 =	sshll.u32 s0, $0xA;
	s2 =	sadd.s32 s3, s2  }
0x8d: {  	s2 =	sadd.s32 s2, s16  }
0x8e: {  	[smem:$0x3FB7] =	sst s2  }
0x8f: {  	_ = 	snop  }
0x90: {  	(tm) =	ssettm $0x1  }
0x91: {  	s17 =	sld [smem:$0x3FFB];
	_ =	sdelay $0x3  }
0x92: {  	_ =	strace s17  }
0x93: {  	s2 =	sld [smem:$0x3FFC];
	_ =	sdelay $0x3  }
0x94: {  	_ =	strace s2  }
0x95: {  	s2 =	sld [smem:$0x3FFD];
	_ =	sdelay $0x3  }
0x96: {  	_ =	strace s2  }
0x97: {  	_ =	strace $0x8FFFFFFF  }
0x98: {  	s18 =	sld [smem:$0x3FDB];
	_ =	sdelay $0x1  }
0x99: {  	s19 =	simm.s32 $_scs_section_size  }
0x9a: {  	s4 =	simm.s32 $_size__tile_overlayer_lowered;
	s5 =	simm.s32 $_tile_overlayer_lowered  }
0x9b: {  	s22 =	simm.s32 $0x1BFF;
	s21 =	sshll.u32 s5, $0x1;
	s2 =	sadd.s32 s19, s18  }
0x9c: {  	s6 =	simm.s32 $0x0;
	s20 =	sshll.u32 s4, $0x1;
	s4 =	sadd.s32 s21, s2  }
0x9d: {  	[timem:s6], [sflag:s22] =	dma.local [hbm:s4], s20  }
0x9e: {  	_ =	swait.ge [sflag:s22], s20  }
0x9f: {  	s3 =	ssub.s32 $0x0, s20;
	[sflag:s22] =	ssyncset.done $0x0  }
0xa0: {  	[sflag:s22] =	ssyncadd.s32 s3;
	_ =	sdelay $0x1  }
0xa1: {  	s23 =	simm.s32 $0x1B8B  }
0xa2: {  	_ =	swait.ge [sflag:s23], $0x1  }
0xa3: {  	[sflag:s23] =	ssyncset.done $0x0  }
0xa4: {  	s25 =	simm.s32 $0x1B8E;
	s24 =	sld [smem:$0x3FFE];
	[sflag:s23] =	ssyncadd.s32 $0xFFFFFFFF  }
0xa5: {  	s26 =	simm.s32 $execute0_lowered;
	[smem:$0x3FD2] =	sst s25  }
0xa6: {  	s4 =	sshll.u32 s26, $0x1;
	_ =	strace $0x80000049;
	[dreg:$0x1] =	wrdreg $0xFFFFFFFF  }
0xa7: {  	s28 =	simm.s32 $_size_execute0_lowered;
	s2 =	sadd.s32 s2, s4;
	[dreg:$0x0] =	wrdreg $0x0  }
0xa8: {  	s4 =	sshll.u32 s28, $0x1;
	[dreg:$0x2] =	wrdreg s2  }
0xa9: {  	[dreg:$0x3] =	wrdreg s4  }
0xaa: {  	[dreg:$0x4] =	wrdreg $0xC0  }
0xab: {  	_ =	task [dreg:s6], $0x5FFFF  }
0xac: {  	[dreg:$0x1] =	wrdreg $0xFFFFFFFF  }
0xad: {  	[dreg:$0x0] =	wrdreg $0x60  }
0xae: {  	[dreg:$0x2] =	wrdreg s24  }
0xaf: {  	[dreg:$0x3] =	wrdreg $0x9  }
0xb0: {  	_ =	task.clear_ibuf [dreg:s6], $0x4FFFF;
	_ =	strace $0x90000049  }
0xb1: {  	s29 =	simm.s32 $0x9;
	_ =	strace $0x8000004B  }
0xb2: {  	_ =	swait.ge [sflag:s29], $0x1  }
0xb3: {  	[sflag:s29] =	ssyncadd.s32 $0xFFFFFFFF  }
0xb4: {  	_ =	strace $0x9000004B  }
0xb5: {  	_ =	sfence  }
0xb6: {  	s30 =	sld [smem:$0x0];
	_ =	sdelay $0x2  }
0xb7: {  	s31 =	sshll.u32 s1, $0xD;
	s1 =	sshrl.u32 s1, $0x2  }
0xb8: {  	s3 =	sand.u32 $0x4000, s31;
	s1 =	sadd.s32 s1, s30  }
0xb9: {  	s0 =	sor.u32 s3, s0;
	s1 =	sshll.u32 s1, $0x11  }
0xba: {  	s0 =	sor.u32 s1, s0  }
0xbb: {  	s0 =	sadd.s32 $0x8F2B, s0  }
0xbc: {  	[sflag:s0] =	ssyncadd.remote.s32 $0x1  }
0xbd: {  	_ =	sfence.sel $0xFFFF  }
0xbe: {  	[dreg:$0x0] =	wrdreg $0xFFFFFFFF;
	(pc) =	sbr.abs _section_cstart, $3  }
0xbf: {  	[dreg:$0x1] =	wrdreg $0xFFFFFFFF  }
0xc0: {  	_ =	task.clear_ibuf [dreg:s6], $0x2FFFF;
	_ =	strace $0x9FFFFFFF  }
0xc1: {  	(tm) =	ssettm $0x7FFFFFFF  }
tec
execute0_lowered:
.L_overlay_start_1:
0x0: {  	(tag) =	ssettag $0x1  }
0x1: {  	s5 =	rddreg [dreg:$0x0];
	s1 =	simm.s32 $0x0  }
0x2: {  	[smem:$0x7FF] =	sst s1  }
0x3: {  	s0 =	rddreg [dreg:$0x1];
	v0 =	vimm.f32 $1.000000000e+00;
	_ =	strace $0x8000004A  }
0x4: {  	(xrf0) =	vmax.scan.msk.f32 $0xffff, v0;
	_ =	sdelay $0x5  }
0x5: {  	v0, _, _ =	vpop (xrf0)  }
0x6: {  	(v2sf) =	vpush v0, $0xF;
	_ =	sdelay $0x7  }
0x7: {  	s3 =	srdreg.scid;
	s2 =	stileid.u32  }
0x8: {  	s4 =	sand.u32 $0x1, s3;
	s30 =	sshll.u32 s2, $0x1  }
0x9: {  	s8 =	simm.s32 $0x3;
	s3 =	sor.u32 s4, s30  }
0xa: {  	s9 =	simm.s32 $0x4E20;
	s10 =	simm.s32 $0x6D60;
	s6 =	smul.u32 $0x4E2, s3  }
.Ltmp0:
0xb: {  	s11 =	simm.s32 $0x8CA0;
	s7 =	ssub.s32 $0x2, s4;
	(pc) =	sbr.rel .LBB2_1-.Ltmp0, $4  }
0xc: {  	s12 =	simm.s32 $0x2710;
	s4 =	sadd.s32 $0x2600, s5;
	s31 =	sshrl.u32 s7, $0x1  }
0xd: {  	s3 =	sadd.s32 $0xC400, s5;
	s7 =	ssub.s32 s7, s31;
	s6 =	sadd.s32 s6, s5  }
0xe: {  	s7 =	smax.u32 s7, $0x1;
	s5 =	sadd.s32 $0x16200, s6;
	s13 =	spop (v2sf)  }
0xf: {  	v1 =	vlaneseq.u32;
	vm0 =	vmmov $0xffff;
	s6 =	sadd.s32 $0x20000, s6;
	v0 =	vimm.f32 $0.0e+00;
	p0 =	sgt.f32 s13, $0.0e+00;
	s13 =	simm.s32 $0x0  }
.LBB2_13:
0x10: {  	s13 =	sadd.s32 $0x1, s13  }
0x11: {  	p1 =	sne.s32 s13, s7  }
.Ltmp1:
0x12: {  	_ = 	snop;
	(pc) =	sbr.rel @!p1 .LBB2_14-.Ltmp1, $4  }
0x13: {  	[hbm4b:s6+s1] =	stream.linear.scatter [tilespmem:s12], [sflag:$0x3], $0x2710, $0x38;
	[tilespmem:$0xB3B0] =	vst v63  }
0x14: {  	_ =	swait.ge [sflag:s8], $0x2710  }
0x15: {  	[sflag:s8] =	ssyncset.done $0x0  }
0x16: {  	[sflag:s8] =	ssyncadd.s32 $0xFFFFD8F0  }
.LBB2_1:
0x17: {  	[tilespmem:s1], [sflag:$0x3] =	stream.linear.gather [hbm4b:s5+s1], $0x2710, $0x38;
	[tilespmem:$0xB3B0] =	vst v63  }
0x18: {  	_ =	swait.ge [sflag:s8], $0x2710  }
0x19: {  	[sflag:s8] =	ssyncset.done $0x0  }
0x1a: {  	s14 =	simm.s32 $0x2730;
	[sflag:s8] =	ssyncadd.s32 $0xFFFFD8F0  }
0x1b: {  	[tilespmem:s14+$0xFFFFFFE0] =	vst v0  }
0x1c: {  	[tilespmem:s14+$0x10] =	vst v0  }
0x1d: {  	s15 =	simm.s32 $0x0;
	[tilespmem:s14+$0x0] =	vst v0  }
.LBB2_2:
0x1e: {  	s15 =	sadd.s32 $0x4, s15  }
0x1f: {  	[tilespmem:s14+$0xFFFFFFF0] =	vst v0;
	s14 =	sadd.s32 $0x40, s14;
	p1 =	slt.u32 s15, $0x26C  }
.Ltmp2:
0x20: {  	[tilespmem:s14+$0xFFFFFFE0] =	vst v0;
	(pc) =	sbr.rel @p1 .LBB2_2-.Ltmp2, $3  }
0x21: {  	_ =	sdelay $0x1  }
0x22: {  	[tilespmem:s14+$0x10] =	vst v0  }
0x23: {  	[tilespmem:s14+$0x0] =	vst v0  }
.Ltmp3:
0x24: {  	[tilespmem:s14+$0xFFFFFFF0] =	vst v0;
	(pc) =	sbr.rel .LBB2_5-.Ltmp3, $4  }
0x25: {  	s14 =	simm.s32 $0x0;
	[tilespmem:$0x4E10] =	vst v0  }
0x26: {  	[tilespmem:s9], [sflag:$0x1] =	stream.linear.gather [hbm4b:s3+s14], $0xFA0, $0x38;
	[tilespmem:$0xB3B0] =	vst v63  }
0x27: {  	_ = 	snop  }
0x28: {  	[tilespmem:s10], [sflag:$0x1] =	stream.linear.gather [hbm4b:s4+s14], $0xFA0, $0x38;
	[tilespmem:$0xB3B0] =	vst v63  }
.LBB2_4:
0x29: {  	p1 =	seq.s32 s14, $0x50  }
.Ltmp4:
0x2a: {  	_ = 	snop;
	(pc) =	sbr.rel @p1 .LBB2_13-.Ltmp4, $1  }
0x2b: {  	_ =	sdelay $0x3  }
.LBB2_5:
0x2c: {  	s15 =	sand.u32 $0x1, s14;
	p1 =	seq.s32 s14, $0x4F;
	s14 =	sadd.s32 $0x1, s14  }
0x2d: {  	s16 =	sxor.u32 @!p1 $0x1, s15;
	s18 =	smul.u32 @!p1 $0x1F4, s14  }
0x2e: {  	s17 =	smul.u32 @!p1 $0xFA0, s16  }
0x2f: {  	s21 =	simm.s32 @!p1 $0x0  }
0x30: {  	s16 =	sadd.s32 @!p1 $0x1, s16;
	s20 =	sadd.s32 @!p1 s3, s18;
	s19 =	sadd.s32 @!p1 $0x4E20, s17  }
0x31: {  	[tilespmem:s19], [sflag:s16] =	stream.linear.gather @!p1 [hbm4b:s20+s21], $0xFA0, $0x38;
	[tilespmem:$0xB3B0] =	vst v63  }
0x32: {  	s31 =	sadd.s32 $0x1, s15;
	s18 =	sadd.s32 @!p1 s4, s18;
	s17 =	sadd.s32 @!p1 $0x6D60, s17  }
0x33: {  	[tilespmem:s17], [sflag:s16] =	stream.linear.gather @!p1 [hbm4b:s18+s21], $0xFA0, $0x38;
	[tilespmem:$0xB3B0] =	vst v63  }
0x34: {  	_ =	swait.ge [sflag:s31], $0xFA0  }
.Ltmp5:
0x35: {  	[sflag:s31] =	ssyncset.done $0x0;
	(pc) =	sbr.rel .LBB2_6-.Ltmp5, $4  }
0x36: {  	[sflag:s31] =	ssyncadd.s32 $0xFFFFF060  }
0x37: {  	s15 =	smul.u32 $0xFA0, s15;
	_ =	swait.ge [sflag:s31], $0xFA0  }
0x38: {  	[sflag:s31] =	ssyncset.done $0x0  }
0x39: {  	v2 =	vmov s15;
	s15 =	simm.s32 $0x0;
	[sflag:s31] =	ssyncadd.s32 $0xFFFFF060  }
.LBB2_16:
0x3a: {  	_ =	sdelay $0x3  }
0x3b: {  	v5 =	vld.idx.msk [tilespmem:v3+s12+$0x0], $0xffff;
	_ =	sdelay $0x4  }
0x3c: {  	v4 =	vmax.f32 v5, v4  }
0x3d: {  	[tilespmem:v3+s12+$0x0] =	vst.idx.msk $0xffff, v4  }
.LBB2_12:
0x3e: {  	p1 =	slt.u32 s15, $0xF8  }
.Ltmp6:
0x3f: {  	_ = 	snop;
	(pc) =	sbr.rel @!p1 .LBB2_4-.Ltmp6, $3  }
0x40: {  	_ =	sdelay $0x1  }
0x41: {  	s16 =	sadd.s32 $0x2, s15  }
0x42: {  	s15 =	smov.u32 s16  }
.LBB2_6:
0x43: {  	_ =	sdelay $0x2  }
0x44: {  	s16 =	sshll.u32 s15, $0x4  }
0x45: {  	v4 =	vld.idx.msk [tilespmem:v2+s16+$0x4E20 ss:$0x1], $0xffff  }
0x46: {  	v3 =	vld.idx.msk [tilespmem:v2+s16+$0x6D60 ss:$0x1], $0xffff;
	_ =	sdelay $0x7  }
0x47: {  	v4 =	vld.idx.msk [tilespmem:v4+s1+$0x0], $0xffff;
	[tilespmem:v3+s11+$0x0] =	vst.idx.msk $0xffff, v1  }
0x48: {  	v5 =	vld.idx.msk [tilespmem:v3+s11+$0x0], $0xffff;
	_ =	sdelay $0x4  }
0x49: {  	vm1 =	veq.s32 v5, v1  }
0x4a: {  	v5 =	vsel vm1, $0x3F800000, v0  }
0x4b: {  	(xrf0) =	vmin.scan.msk.f32 $0xffff, v5;
	_ =	sdelay $0x5  }
0x4c: {  	v5, _, _ =	vpop (xrf0)  }
0x4d: {  	(v2sf) =	vpush v5, $0xF;
	_ =	sdelay $0xe  }
0x4e: {  	s17 =	spop (v2sf)  }
0x4f: {  	p1 =	sgt.f32 s17, $0.0e+00  }
.Ltmp7:
0x50: {  	_ = 	snop;
	(pc) =	sbr.rel @!p1 .LBB2_7-.Ltmp7, $1  }
0x51: {  	_ =	sdelay $0x3  }
0x52: {  	_ =	sdelay $0x3  }
0x53: {  	v5 =	vld.idx.msk [tilespmem:v3+s12+$0x0], $0xffff;
	_ =	sdelay $0x1  }
.Ltmp8:
0x54: {  	_ = 	snop;
	(pc) =	sbr.rel .LBB2_9-.Ltmp8, $3  }
0x55: {  	_ =	sdelay $0x1  }
0x56: {  	v4 =	vmax.f32 v5, v4  }
0x57: {  	[tilespmem:v3+s12+$0x0] =	vst.idx.msk $0xffff, v4  }
.LBB2_7:
.Ltmp9:
0x58: {  	(pc) =	sbr.rel @!p0 .LBB2_9-.Ltmp9, $2  }
0x59: {  	_ =	sdelay $0x2  }
0x5a: {  	vm1 =	vmmov vm0  }
.LBB2_8:
0x5b: {  	v5 =	vld.idx.msk [tilespmem:v3+s12+$0x0], $0xffff;
	_ =	sdelay $0x4  }
0x5c: {  	v5 =	vmax.f32 v5, v4  }
0x5d: {  	[tilespmem:v3+s12+$0x0] =	vst.idx.msk vm1, v5  }
0x5e: {  	v5 =	vld.idx.msk [tilespmem:v3+s12+$0x0], $0xffff;
	_ =	sdelay $0x4  }
0x5f: {  	vm2 =	vlt.f32 v5, v4  }
0x60: {  	vm1 =	vmand vm1, vm2  }
0x61: {  	v5 =	vsel vm1, $0x3F800000, v0  }
0x62: {  	(xrf0) =	vmax.scan.msk.f32 $0xffff, v5;
	_ =	sdelay $0x5  }
0x63: {  	v5, _, _ =	vpop (xrf0)  }
0x64: {  	(v2sf) =	vpush v5, $0xF;
	_ =	sdelay $0xe  }
0x65: {  	s17 =	spop (v2sf)  }
0x66: {  	p1 =	sgt.f32 s17, $0.0e+00  }
.Ltmp10:
0x67: {  	_ = 	snop;
	(pc) =	sbr.rel @p1 .LBB2_8-.Ltmp10, $1  }
0x68: {  	_ =	sdelay $0x3  }
.LBB2_9:
0x69: {  	_ =	sdelay $0x3  }
0x6a: {  	v4 =	vld.idx.msk [tilespmem:v2+s16+$0x4E30 ss:$0x1], $0xffff  }
0x6b: {  	v3 =	vld.idx.msk [tilespmem:v2+s16+$0x6D70 ss:$0x1], $0xffff;
	_ =	sdelay $0x7  }
0x6c: {  	v4 =	vld.idx.msk [tilespmem:v4+s1+$0x0], $0xffff;
	[tilespmem:v3+s11+$0x0] =	vst.idx.msk $0xffff, v1  }
0x6d: {  	v5 =	vld.idx.msk [tilespmem:v3+s11+$0x0], $0xffff;
	_ =	sdelay $0x4  }
0x6e: {  	vm1 =	veq.s32 v5, v1  }
0x6f: {  	v5 =	vsel vm1, $0x3F800000, v0  }
0x70: {  	(xrf0) =	vmin.scan.msk.f32 $0xffff, v5;
	_ =	sdelay $0x5  }
0x71: {  	v5, _, _ =	vpop (xrf0)  }
0x72: {  	(v2sf) =	vpush v5, $0xF;
	_ =	sdelay $0xe  }
0x73: {  	s31 =	spop (v2sf)  }
0x74: {  	p1 =	sgt.f32 s31, $0.0e+00  }
.Ltmp11:
0x75: {  	_ = 	snop;
	(pc) =	sbr.rel @p1 .LBB2_16-.Ltmp11, $1  }
0x76: {  	_ =	sdelay $0x3  }
.Ltmp12:
0x77: {  	(pc) =	sbr.rel @!p0 .LBB2_12-.Ltmp12, $2  }
0x78: {  	_ =	sdelay $0x2  }
0x79: {  	vm1 =	vmmov vm0  }
.LBB2_11:
0x7a: {  	v5 =	vld.idx.msk [tilespmem:v3+s12+$0x0], $0xffff;
	_ =	sdelay $0x4  }
0x7b: {  	v5 =	vmax.f32 v5, v4  }
0x7c: {  	[tilespmem:v3+s12+$0x0] =	vst.idx.msk vm1, v5  }
0x7d: {  	v5 =	vld.idx.msk [tilespmem:v3+s12+$0x0], $0xffff;
	_ =	sdelay $0x4  }
0x7e: {  	vm2 =	vlt.f32 v5, v4  }
0x7f: {  	vm1 =	vmand vm1, vm2  }
0x80: {  	v5 =	vsel vm1, $0x3F800000, v0  }
0x81: {  	(xrf0) =	vmax.scan.msk.f32 $0xffff, v5;
	_ =	sdelay $0x5  }
0x82: {  	v5, _, _ =	vpop (xrf0)  }
0x83: {  	(v2sf) =	vpush v5, $0xF;
	_ =	sdelay $0xe  }
0x84: {  	s16 =	spop (v2sf)  }
0x85: {  	p1 =	sgt.f32 s16, $0.0e+00  }
.Ltmp13:
0x86: {  	_ = 	snop;
	(pc) =	sbr.rel @p1 .LBB2_11-.Ltmp13, $1  }
0x87: {  	_ =	sdelay $0x3  }
.Ltmp14:
0x88: {  	_ = 	snop;
	(pc) =	sbr.rel .LBB2_12-.Ltmp14, $1  }
0x89: {  	_ =	sdelay $0x3  }
.LBB2_14:
0x8a: {  	_ =	sfence.sel $0x180000  }
0x8b: {  	[bflag:$0x0] =	sbarrier.arrive $0xFFFF  }
0x8c: {  	p0 =	sne.s32 s2, $0x0;
	_ =	strace $0x9000004A  }
0x8d: {  	s0 =	sadd.s32 @!p0 $0x100000, s0;
	[bflag:$0x2] =	sbarrier.arrive $0xFFFF  }
0x8e: {  	[sflag:s0] =	ssyncadd.tile.s32 @!p0 $0x1;
	_ =	shalt  }
.Lfunc_end2:
_tile_overlayer_lowered:
.L_overlay_start_2:
0x8f: {  	(tag) =	ssettag $0x2  }
0x90: {  	s0 =	rddreg [dreg:$0x0];
	s2 =	stileid.u32  }
0x91: {  	s1 =	rddreg [dreg:$0x1];
	p0 =	sne.s32 s2, $0x0  }
0x92: {  	s3 =	rddreg [dreg:$0x2];
	[bflag:$0x3] =	sbarrier.arrive $0xFFFF;
	s2 =	simm.s32 @!p0 $0x1C03  }
0x93: {  	[timem:s3], [sflag:s2] =	dma.local @!p0 [hbm:s0], s1  }
0x94: {  	s0 =	simm.s32 @!p0 $0x3  }
0x95: {  	_ =	swait.ge @!p0 [sflag:s0], s1  }
0x96: {  	s1 =	ssub.s32 @!p0 $0x0, s1;
	[sflag:s0] =	ssyncset.done @!p0 $0x0  }
0x97: {  	[sflag:s0] =	ssyncadd.s32 @!p0 s1  }
0x98: {  	[bflag:$0x3] =	sbarrier.arrive $0xFFFF  }
0x99: {  	_ =	shalt  }

// kernel: kernel.15.cloned.1.call-start
scs
__scs_entry_jumppad:
0x0: {  	(pc) =	sbr.rel $0x88, $3  }
0x1: {  	(tag) =	ssettag $0x0;
	lr =	simm.s32 $0x1  }
0x2: {  	[smem:$0x3F90] =	sst lr;
	_ =	strace $0xD0000000  }
0x3: {  	_ = 	snop  }
0x4: {  	_ = 	snop  }
0x5: {  	_ = 	snop  }
0x6: {  	_ = 	snop  }
0x7: {  	_ = 	snop  }
__scs_overlays_trampoline_lowered:
0x8: {  	[smem:$0x3F9F] =	sst s0  }
0x9: {  	[smem:$0x3FA0] =	sst s1  }
0xa: {  	[smem:$0x3FA1] =	sst s2  }
0xb: {  	[smem:$0x3FA2] =	sst s3  }
0xc: {  	[smem:$0x3FA3] =	sst s4  }
0xd: {  	[smem:$0x3FA4] =	sst s5  }
0xe: {  	[smem:$0x3FA5] =	sst s6  }
0xf: {  	[smem:$0x3FA6] =	sst s7  }
0x10: {  	[smem:$0x3FA7] =	sst s8  }
0x11: {  	[smem:$0x3FA8] =	sst s9;
	s0 =	simm.s32 @!p0 $0x0  }
0x12: {  	s1 =	sld [smem:$0x3F8E];
	s0 =	simm.s32 @p0 $0x1  }
0x13: {  	[smem:$0x3FA9] =	sst s0;
	s0 =	simm.s32 @!p1 $0x0  }
0x14: {  	s2 =	sld [smem:$0x3F8D];
	s0 =	simm.s32 @p1 $0x1  }
0x15: {  	[smem:$0x3FAA] =	sst s0;
	s0 =	simm.s32 @!p2 $0x0  }
0x16: {  	s3 =	sld [smem:$0x3FDB];
	s0 =	simm.s32 @p2 $0x1  }
0x17: {  	s4 =	simm.s32 $0x1BF5;
	[smem:$0x3FAC] =	sst s0  }
0x18: {  	s0 =	sld [smem:$0x3F8F];
	_ =	swait.ge [sflag:s4], $0x0  }
0x19: {  	s7 =	sld [smem:$0x3F90]  }
0x1a: {  	s8 =	sadd.s32 $0xFFFFE003, lr  }
0x1b: {  	s9 =	sadd.s32 $0xFFFFFEF7, lr;
	s5 =	simm.s32 $0xFFFFFFFF;
	p2 =	slt.u32 s8, $0xFFFFF086  }
0x1c: {  	p1 =	slt.u32 s9, $0xF7A;
	s5 =	simm.s32 @!p2 $0x0  }
0x1d: {  	s5 =	simm.s32 @p1 $0x1;
	p0 =	seq.s32 s7, s2  }
0x1e: {  	s7 =	smul.u32 @!p0 $0xF7A, s2;
	p2 =	seq.s32 @!p0 s5, $0x0  }
0x1f: {  	s9 =	smul.u32 $0xF7A, s1;
	s8 =	simm.s32 @!p0 $0x1BF5;
	p2 =	por !p2, p0  }
0x20: {  	[sflag:s8] =	ssyncset.s32 @!p0 $0xFFFFF086;
	s6 =	sadd.s32 @!p0 s3, s7;
	s7 =	simm.s32 @!p0 $0x108  }
0x21: {  	s3 =	sadd.s32 s3, s9;
	s6 =	sadd.s32 @!p0 $0x88, s6;
	s7 =	simm.s32 @p2 $0x1082  }
0x22: {  	[simem:s7], [sflag:s8] =	dma.local @!p0 [hbm:s6], $0xF7A  }
0x23: {  	s9 =	sor.u32 $0xD0000000, s2;
	s6 =	simm.s32 $0x108;
	_ =	swait.ge @!p0 [sflag:s8], $0x0  }
0x24: {  	s3 =	sadd.s32 $0x88, s3;
	s6 =	simm.s32 @!p1 $0x1082;
	[sflag:s4] =	ssyncset.s32 $0xFFFFF086  }
0x25: {  	[simem:s6], [sflag:s4] =	dma.local [hbm:s3], $0xF7A  }
0x26: {  	[smem:$0x3F90] =	sst s1;
	(tag) =	ssettag s2;
	_ =	strace s9  }
0x27: {  	s1 =	sld [smem:$0x3FA0]  }
0x28: {  	s2 =	sld [smem:$0x3FA1]  }
0x29: {  	s4 =	sld [smem:$0x3FA3]  }
0x2a: {  	p0 =	seq.s32 s5, $0x0;
	s5 =	sld [smem:$0x3FA4]  }
0x2b: {  	s6 =	sld [smem:$0x3FA5]  }
0x2c: {  	s7 =	sld [smem:$0x3FA6]  }
0x2d: {  	s3 =	simm.s32 $0x108;
	s8 =	sld [smem:$0x3FA7]  }
0x2e: {  	s3 =	simm.s32 @!p0 $0x1082;
	s9 =	sld [smem:$0x3FA8]  }
0x2f: {  	lr =	sadd.s32 s0, s3;
	s0 =	sld [smem:$0x3F9F]  }
0x30: {  	s3 =	sld [smem:$0x3FA2]  }
0x31: {  	[smem:$0x3FAB] =	sst s10  }
0x32: {  	s10 =	sld [smem:$0x3FA9];
	_ =	sdelay $0x3  }
0x33: {  	p0 =	seq.s32 s10, $0x1;
	s10 =	sld [smem:$0x3FAB];
	_ =	sdelay $0x3  }
0x34: {  	[smem:$0x3FAB] =	sst s10  }
0x35: {  	s10 =	sld [smem:$0x3FAA];
	_ =	sdelay $0x3  }
0x36: {  	p1 =	seq.s32 s10, $0x1;
	s10 =	sld [smem:$0x3FAB];
	_ =	sdelay $0x3  }
0x37: {  	[smem:$0x3FAB] =	sst s10  }
0x38: {  	s10 =	sld [smem:$0x3FAC]  }
0x39: {  	_ = 	snop;
	(pc) =	sbr.ind lr, $3  }
0x3a: {  	_ = 	snop  }
0x3b: {  	_ = 	snop  }
0x3c: {  	p2 =	seq.s32 s10, $0x1;
	s10 =	sld [smem:$0x3FAB]  }
0x3d: {  	_ =	shalt  }
0x3e: {  	_ =	shalt  }
0x3f: {  	_ =	shalt  }
0x40: {  	_ =	shalt  }
0x41: {  	_ =	shalt  }
0x42: {  	_ =	shalt  }
0x43: {  	_ =	shalt  }
0x44: {  	_ =	shalt  }
0x45: {  	_ =	shalt  }
0x46: {  	_ =	shalt  }
0x47: {  	_ =	shalt  }
0x48: {  	_ =	shalt  }
0x49: {  	_ =	shalt  }
0x4a: {  	_ =	shalt  }
0x4b: {  	_ =	shalt  }
0x4c: {  	_ =	shalt  }
0x4d: {  	_ =	shalt  }
0x4e: {  	_ =	shalt  }
0x4f: {  	_ =	shalt  }
0x50: {  	_ =	shalt  }
0x51: {  	_ =	shalt  }
0x52: {  	_ =	shalt  }
0x53: {  	_ =	shalt  }
0x54: {  	_ =	shalt  }
0x55: {  	_ =	shalt  }
0x56: {  	_ =	shalt  }
0x57: {  	_ =	shalt  }
0x58: {  	_ =	shalt  }
0x59: {  	_ =	shalt  }
0x5a: {  	_ =	shalt  }
0x5b: {  	_ =	shalt  }
0x5c: {  	_ =	shalt  }
0x5d: {  	_ =	shalt  }
0x5e: {  	_ =	shalt  }
0x5f: {  	_ =	shalt  }
0x60: {  	_ =	shalt  }
0x61: {  	_ =	shalt  }
0x62: {  	_ =	shalt  }
0x63: {  	_ =	shalt  }
0x64: {  	_ =	shalt  }
0x65: {  	_ =	shalt  }
0x66: {  	_ =	shalt  }
0x67: {  	_ =	shalt  }
0x68: {  	_ =	shalt  }
0x69: {  	_ =	shalt  }
0x6a: {  	_ =	shalt  }
0x6b: {  	_ =	shalt  }
0x6c: {  	_ =	shalt  }
0x6d: {  	_ =	shalt  }
0x6e: {  	_ =	shalt  }
0x6f: {  	_ =	shalt  }
0x70: {  	_ =	shalt  }
0x71: {  	_ =	shalt  }
0x72: {  	_ =	shalt  }
0x73: {  	_ =	shalt  }
0x74: {  	_ =	shalt  }
0x75: {  	_ =	shalt  }
0x76: {  	_ =	shalt  }
0x77: {  	_ =	shalt  }
0x78: {  	_ =	shalt  }
0x79: {  	_ =	shalt  }
0x7a: {  	_ =	shalt  }
0x7b: {  	_ =	shalt  }
0x7c: {  	_ =	shalt  }
0x7d: {  	_ =	shalt  }
0x7e: {  	_ =	shalt  }
0x7f: {  	_ =	shalt  }
0x80: {  	_ =	shalt  }
0x81: {  	_ =	shalt  }
0x82: {  	_ =	shalt  }
0x83: {  	_ =	shalt  }
0x84: {  	_ =	shalt  }
0x85: {  	_ =	shalt  }
0x86: {  	_ =	shalt  }
0x87: {  	_ =	shalt  }
.Lfunc_end0:
.L_simem_size_0:
called_computation.2_lowered:
.L_overlay_start_0:
0x88: {  	s2 =	sld [smem:$0x3FD9]  }
0x89: {  	s3 =	sld [smem:$0x3FFE];
	_ =	sdelay $0x1  }
0x8a: {  	s1 =	srdreg.scid  }
0x8b: {  	s0 =	sand.u32 $0x1, s1  }
0x8c: {  	s16 =	sshll.u32 s0, $0xA;
	s2 =	sadd.s32 s3, s2  }
0x8d: {  	s2 =	sadd.s32 s2, s16  }
0x8e: {  	[smem:$0x3FB7] =	sst s2  }
0x8f: {  	_ = 	snop  }
0x90: {  	(tm) =	ssettm $0x1  }
0x91: {  	s17 =	sld [smem:$0x3FFB];
	_ =	sdelay $0x3  }
0x92: {  	_ =	strace s17  }
0x93: {  	s2 =	sld [smem:$0x3FFC];
	_ =	sdelay $0x3  }
0x94: {  	_ =	strace s2  }
0x95: {  	s2 =	sld [smem:$0x3FFD];
	_ =	sdelay $0x3  }
0x96: {  	_ =	strace s2  }
0x97: {  	_ =	strace $0x8FFFFFFF  }
0x98: {  	s18 =	sld [smem:$0x3FDB];
	_ =	sdelay $0x1  }
0x99: {  	s19 =	simm.s32 $_scs_section_size  }
0x9a: {  	s4 =	simm.s32 $_size__tile_overlayer_lowered;
	s5 =	simm.s32 $_tile_overlayer_lowered  }
0x9b: {  	s22 =	simm.s32 $0x1BFF;
	s21 =	sshll.u32 s5, $0x1;
	s2 =	sadd.s32 s19, s18  }
0x9c: {  	s6 =	simm.s32 $0x0;
	s20 =	sshll.u32 s4, $0x1;
	s4 =	sadd.s32 s21, s2  }
0x9d: {  	[timem:s6], [sflag:s22] =	dma.local [hbm:s4], s20  }
0x9e: {  	_ =	swait.ge [sflag:s22], s20  }
0x9f: {  	s3 =	ssub.s32 $0x0, s20;
	[sflag:s22] =	ssyncset.done $0x0  }
0xa0: {  	[sflag:s22] =	ssyncadd.s32 s3;
	_ =	sdelay $0x1  }
0xa1: {  	s23 =	simm.s32 $0x1B8B  }
0xa2: {  	_ =	swait.ge [sflag:s23], $0x1  }
0xa3: {  	[sflag:s23] =	ssyncset.done $0x0  }
0xa4: {  	s25 =	simm.s32 $0x1B8E;
	s24 =	sld [smem:$0x3FFE];
	[sflag:s23] =	ssyncadd.s32 $0xFFFFFFFF  }
0xa5: {  	s26 =	simm.s32 $execute0_lowered;
	[smem:$0x3FD2] =	sst s25  }
0xa6: {  	s4 =	sshll.u32 s26, $0x1;
	_ =	strace $0x8000004C;
	[dreg:$0x1] =	wrdreg $0xFFFFFFFF  }
0xa7: {  	s28 =	simm.s32 $_size_execute0_lowered;
	s2 =	sadd.s32 s2, s4;
	[dreg:$0x0] =	wrdreg $0x0  }
0xa8: {  	s4 =	sshll.u32 s28, $0x1;
	[dreg:$0x2] =	wrdreg s2  }
0xa9: {  	[dreg:$0x3] =	wrdreg s4  }
0xaa: {  	[dreg:$0x4] =	wrdreg $0xC0  }
0xab: {  	_ =	task [dreg:s6], $0x5FFFF  }
0xac: {  	[dreg:$0x1] =	wrdreg $0xFFFFFFFF  }
0xad: {  	[dreg:$0x0] =	wrdreg $0x60  }
0xae: {  	[dreg:$0x2] =	wrdreg s24  }
0xaf: {  	[dreg:$0x3] =	wrdreg $0x9  }
0xb0: {  	_ =	task.clear_ibuf [dreg:s6], $0x4FFFF;
	_ =	strace $0x9000004C  }
0xb1: {  	s29 =	simm.s32 $0x9;
	_ =	strace $0x8000004E  }
0xb2: {  	_ =	swait.ge [sflag:s29], $0x1  }
0xb3: {  	[sflag:s29] =	ssyncadd.s32 $0xFFFFFFFF  }
0xb4: {  	_ =	strace $0x9000004E  }
0xb5: {  	_ =	sfence  }
0xb6: {  	s30 =	sld [smem:$0x0];
	_ =	sdelay $0x2  }
0xb7: {  	s31 =	sshll.u32 s1, $0xD;
	s1 =	sshrl.u32 s1, $0x2  }
0xb8: {  	s3 =	sand.u32 $0x4000, s31;
	s1 =	sadd.s32 s1, s30  }
0xb9: {  	s0 =	sor.u32 s3, s0;
	s1 =	sshll.u32 s1, $0x11  }
0xba: {  	s0 =	sor.u32 s1, s0  }
0xbb: {  	s0 =	sadd.s32 $0x8F2B, s0  }
0xbc: {  	[sflag:s0] =	ssyncadd.remote.s32 $0x1  }
0xbd: {  	_ =	sfence.sel $0xFFFF  }
0xbe: {  	[dreg:$0x0] =	wrdreg $0xFFFFFFFF;
	(pc) =	sbr.abs _section_cstart, $3  }
0xbf: {  	[dreg:$0x1] =	wrdreg $0xFFFFFFFF  }
0xc0: {  	_ =	task.clear_ibuf [dreg:s6], $0x2FFFF;
	_ =	strace $0x9FFFFFFF  }
0xc1: {  	(tm) =	ssettm $0x7FFFFFFF  }
tec
execute0_lowered:
.L_overlay_start_1:
0x0: {  	(tag) =	ssettag $0x1  }
0x1: {  	s5 =	rddreg [dreg:$0x0];
	s1 =	simm.s32 $0x0  }
0x2: {  	[smem:$0x7FF] =	sst s1  }
0x3: {  	s0 =	rddreg [dreg:$0x1];
	v0 =	vimm.f32 $1.000000000e+00;
	_ =	strace $0x8000004D  }
0x4: {  	(xrf0) =	vmax.scan.msk.f32 $0xffff, v0;
	_ =	sdelay $0x5  }
0x5: {  	v0, _, _ =	vpop (xrf0)  }
0x6: {  	(v2sf) =	vpush v0, $0xF;
	_ =	sdelay $0x7  }
0x7: {  	s3 =	srdreg.scid;
	s2 =	stileid.u32  }
0x8: {  	s4 =	sand.u32 $0x1, s3;
	s30 =	sshll.u32 s2, $0x1  }
0x9: {  	s8 =	simm.s32 $0x3;
	s3 =	sor.u32 s4, s30  }
0xa: {  	s9 =	simm.s32 $0x4E20;
	s10 =	simm.s32 $0x6D60;
	s6 =	smul.u32 $0x4E2, s3  }
.Ltmp0:
0xb: {  	s11 =	simm.s32 $0x8CA0;
	s7 =	ssub.s32 $0x2, s4;
	(pc) =	sbr.rel .LBB2_1-.Ltmp0, $4  }
0xc: {  	s12 =	simm.s32 $0x2710;
	s4 =	sadd.s32 $0x2600, s5;
	s31 =	sshrl.u32 s7, $0x1  }
0xd: {  	s3 =	sadd.s32 $0xC400, s5;
	s7 =	ssub.s32 s7, s31;
	s6 =	sadd.s32 s6, s5  }
0xe: {  	s7 =	smax.u32 s7, $0x1;
	s5 =	sadd.s32 $0x16200, s6;
	s13 =	spop (v2sf)  }
0xf: {  	v1 =	vlaneseq.u32;
	vm0 =	vmmov $0xffff;
	s6 =	sadd.s32 $0x20000, s6;
	v0 =	vimm.f32 $0.0e+00;
	p0 =	sgt.f32 s13, $0.0e+00;
	s13 =	simm.s32 $0x0  }
.LBB2_13:
0x10: {  	s13 =	sadd.s32 $0x1, s13  }
0x11: {  	p1 =	sne.s32 s13, s7  }
.Ltmp1:
0x12: {  	_ = 	snop;
	(pc) =	sbr.rel @!p1 .LBB2_14-.Ltmp1, $4  }
0x13: {  	[hbm4b:s6+s1] =	stream.linear.scatter [tilespmem:s12], [sflag:$0x3], $0x2710, $0x38;
	[tilespmem:$0xB3B0] =	vst v63  }
0x14: {  	_ =	swait.ge [sflag:s8], $0x2710  }
0x15: {  	[sflag:s8] =	ssyncset.done $0x0  }
0x16: {  	[sflag:s8] =	ssyncadd.s32 $0xFFFFD8F0  }
.LBB2_1:
0x17: {  	[tilespmem:s1], [sflag:$0x3] =	stream.linear.gather [hbm4b:s5+s1], $0x2710, $0x38;
	[tilespmem:$0xB3B0] =	vst v63  }
0x18: {  	_ =	swait.ge [sflag:s8], $0x2710  }
0x19: {  	[sflag:s8] =	ssyncset.done $0x0  }
0x1a: {  	s14 =	simm.s32 $0x2730;
	[sflag:s8] =	ssyncadd.s32 $0xFFFFD8F0  }
0x1b: {  	[tilespmem:s14+$0xFFFFFFE0] =	vst v0  }
0x1c: {  	[tilespmem:s14+$0x10] =	vst v0  }
0x1d: {  	s15 =	simm.s32 $0x0;
	[tilespmem:s14+$0x0] =	vst v0  }
.LBB2_2:
0x1e: {  	s15 =	sadd.s32 $0x4, s15  }
0x1f: {  	[tilespmem:s14+$0xFFFFFFF0] =	vst v0;
	s14 =	sadd.s32 $0x40, s14;
	p1 =	slt.u32 s15, $0x26C  }
.Ltmp2:
0x20: {  	[tilespmem:s14+$0xFFFFFFE0] =	vst v0;
	(pc) =	sbr.rel @p1 .LBB2_2-.Ltmp2, $3  }
0x21: {  	_ =	sdelay $0x1  }
0x22: {  	[tilespmem:s14+$0x10] =	vst v0  }
0x23: {  	[tilespmem:s14+$0x0] =	vst v0  }
.Ltmp3:
0x24: {  	[tilespmem:s14+$0xFFFFFFF0] =	vst v0;
	(pc) =	sbr.rel .LBB2_5-.Ltmp3, $4  }
0x25: {  	s14 =	simm.s32 $0x0;
	[tilespmem:$0x4E10] =	vst v0  }
0x26: {  	[tilespmem:s9], [sflag:$0x1] =	stream.linear.gather [hbm4b:s3+s14], $0xFA0, $0x38;
	[tilespmem:$0xB3B0] =	vst v63  }
0x27: {  	_ = 	snop  }
0x28: {  	[tilespmem:s10], [sflag:$0x1] =	stream.linear.gather [hbm4b:s4+s14], $0xFA0, $0x38;
	[tilespmem:$0xB3B0] =	vst v63  }
.LBB2_4:
0x29: {  	p1 =	seq.s32 s14, $0x50  }
.Ltmp4:
0x2a: {  	_ = 	snop;
	(pc) =	sbr.rel @p1 .LBB2_13-.Ltmp4, $1  }
0x2b: {  	_ =	sdelay $0x3  }
.LBB2_5:
0x2c: {  	s15 =	sand.u32 $0x1, s14;
	p1 =	seq.s32 s14, $0x4F;
	s14 =	sadd.s32 $0x1, s14  }
0x2d: {  	s16 =	sxor.u32 @!p1 $0x1, s15;
	s18 =	smul.u32 @!p1 $0x1F4, s14  }
0x2e: {  	s17 =	smul.u32 @!p1 $0xFA0, s16  }
0x2f: {  	s21 =	simm.s32 @!p1 $0x0  }
0x30: {  	s16 =	sadd.s32 @!p1 $0x1, s16;
	s20 =	sadd.s32 @!p1 s3, s18;
	s19 =	sadd.s32 @!p1 $0x4E20, s17  }
0x31: {  	[tilespmem:s19], [sflag:s16] =	stream.linear.gather @!p1 [hbm4b:s20+s21], $0xFA0, $0x38;
	[tilespmem:$0xB3B0] =	vst v63  }
0x32: {  	s31 =	sadd.s32 $0x1, s15;
	s18 =	sadd.s32 @!p1 s4, s18;
	s17 =	sadd.s32 @!p1 $0x6D60, s17  }
0x33: {  	[tilespmem:s17], [sflag:s16] =	stream.linear.gather @!p1 [hbm4b:s18+s21], $0xFA0, $0x38;
	[tilespmem:$0xB3B0] =	vst v63  }
0x34: {  	_ =	swait.ge [sflag:s31], $0xFA0  }
.Ltmp5:
0x35: {  	[sflag:s31] =	ssyncset.done $0x0;
	(pc) =	sbr.rel .LBB2_6-.Ltmp5, $4  }
0x36: {  	[sflag:s31] =	ssyncadd.s32 $0xFFFFF060  }
0x37: {  	s15 =	smul.u32 $0xFA0, s15;
	_ =	swait.ge [sflag:s31], $0xFA0  }
0x38: {  	[sflag:s31] =	ssyncset.done $0x0  }
0x39: {  	v2 =	vmov s15;
	s15 =	simm.s32 $0x0;
	[sflag:s31] =	ssyncadd.s32 $0xFFFFF060  }
.LBB2_16:
0x3a: {  	_ =	sdelay $0x3  }
0x3b: {  	v5 =	vld.idx.msk [tilespmem:v3+s12+$0x0], $0xffff;
	_ =	sdelay $0x4  }
0x3c: {  	v4 =	vmax.f32 v5, v4  }
0x3d: {  	[tilespmem:v3+s12+$0x0] =	vst.idx.msk $0xffff, v4  }
.LBB2_12:
0x3e: {  	p1 =	slt.u32 s15, $0xF8  }
.Ltmp6:
0x3f: {  	_ = 	snop;
	(pc) =	sbr.rel @!p1 .LBB2_4-.Ltmp6, $3  }
0x40: {  	_ =	sdelay $0x1  }
0x41: {  	s16 =	sadd.s32 $0x2, s15  }
0x42: {  	s15 =	smov.u32 s16  }
.LBB2_6:
0x43: {  	_ =	sdelay $0x2  }
0x44: {  	s16 =	sshll.u32 s15, $0x4  }
0x45: {  	v4 =	vld.idx.msk [tilespmem:v2+s16+$0x4E20 ss:$0x1], $0xffff  }
0x46: {  	v3 =	vld.idx.msk [tilespmem:v2+s16+$0x6D60 ss:$0x1], $0xffff;
	_ =	sdelay $0x7  }
0x47: {  	v4 =	vld.idx.msk [tilespmem:v4+s1+$0x0], $0xffff;
	[tilespmem:v3+s11+$0x0] =	vst.idx.msk $0xffff, v1  }
0x48: {  	v5 =	vld.idx.msk [tilespmem:v3+s11+$0x0], $0xffff;
	_ =	sdelay $0x4  }
0x49: {  	vm1 =	veq.s32 v5, v1  }
0x4a: {  	v5 =	vsel vm1, $0x3F800000, v0  }
0x4b: {  	(xrf0) =	vmin.scan.msk.f32 $0xffff, v5;
	_ =	sdelay $0x5  }
0x4c: {  	v5, _, _ =	vpop (xrf0)  }
0x4d: {  	(v2sf) =	vpush v5, $0xF;
	_ =	sdelay $0xe  }
0x4e: {  	s17 =	spop (v2sf)  }
0x4f: {  	p1 =	sgt.f32 s17, $0.0e+00  }
.Ltmp7:
0x50: {  	_ = 	snop;
	(pc) =	sbr.rel @!p1 .LBB2_7-.Ltmp7, $1  }
0x51: {  	_ =	sdelay $0x3  }
0x52: {  	_ =	sdelay $0x3  }
0x53: {  	v5 =	vld.idx.msk [tilespmem:v3+s12+$0x0], $0xffff;
	_ =	sdelay $0x1  }
.Ltmp8:
0x54: {  	_ = 	snop;
	(pc) =	sbr.rel .LBB2_9-.Ltmp8, $3  }
0x55: {  	_ =	sdelay $0x1  }
0x56: {  	v4 =	vmax.f32 v5, v4  }
0x57: {  	[tilespmem:v3+s12+$0x0] =	vst.idx.msk $0xffff, v4  }
.LBB2_7:
.Ltmp9:
0x58: {  	(pc) =	sbr.rel @!p0 .LBB2_9-.Ltmp9, $2  }
0x59: {  	_ =	sdelay $0x2  }
0x5a: {  	vm1 =	vmmov vm0  }
.LBB2_8:
0x5b: {  	v5 =	vld.idx.msk [tilespmem:v3+s12+$0x0], $0xffff;
	_ =	sdelay $0x4  }
0x5c: {  	v5 =	vmax.f32 v5, v4  }
0x5d: {  	[tilespmem:v3+s12+$0x0] =	vst.idx.msk vm1, v5  }
0x5e: {  	v5 =	vld.idx.msk [tilespmem:v3+s12+$0x0], $0xffff;
	_ =	sdelay $0x4  }
0x5f: {  	vm2 =	vlt.f32 v5, v4  }
0x60: {  	vm1 =	vmand vm1, vm2  }
0x61: {  	v5 =	vsel vm1, $0x3F800000, v0  }
0x62: {  	(xrf0) =	vmax.scan.msk.f32 $0xffff, v5;
	_ =	sdelay $0x5  }
0x63: {  	v5, _, _ =	vpop (xrf0)  }
0x64: {  	(v2sf) =	vpush v5, $0xF;
	_ =	sdelay $0xe  }
0x65: {  	s17 =	spop (v2sf)  }
0x66: {  	p1 =	sgt.f32 s17, $0.0e+00  }
.Ltmp10:
0x67: {  	_ = 	snop;
	(pc) =	sbr.rel @p1 .LBB2_8-.Ltmp10, $1  }
0x68: {  	_ =	sdelay $0x3  }
.LBB2_9:
0x69: {  	_ =	sdelay $0x3  }
0x6a: {  	v4 =	vld.idx.msk [tilespmem:v2+s16+$0x4E30 ss:$0x1], $0xffff  }
0x6b: {  	v3 =	vld.idx.msk [tilespmem:v2+s16+$0x6D70 ss:$0x1], $0xffff;
	_ =	sdelay $0x7  }
0x6c: {  	v4 =	vld.idx.msk [tilespmem:v4+s1+$0x0], $0xffff;
	[tilespmem:v3+s11+$0x0] =	vst.idx.msk $0xffff, v1  }
0x6d: {  	v5 =	vld.idx.msk [tilespmem:v3+s11+$0x0], $0xffff;
	_ =	sdelay $0x4  }
0x6e: {  	vm1 =	veq.s32 v5, v1  }
0x6f: {  	v5 =	vsel vm1, $0x3F800000, v0  }
0x70: {  	(xrf0) =	vmin.scan.msk.f32 $0xffff, v5;
	_ =	sdelay $0x5  }
0x71: {  	v5, _, _ =	vpop (xrf0)  }
0x72: {  	(v2sf) =	vpush v5, $0xF;
	_ =	sdelay $0xe  }
0x73: {  	s31 =	spop (v2sf)  }
0x74: {  	p1 =	sgt.f32 s31, $0.0e+00  }
.Ltmp11:
0x75: {  	_ = 	snop;
	(pc) =	sbr.rel @p1 .LBB2_16-.Ltmp11, $1  }
0x76: {  	_ =	sdelay $0x3  }
.Ltmp12:
0x77: {  	(pc) =	sbr.rel @!p0 .LBB2_12-.Ltmp12, $2  }
0x78: {  	_ =	sdelay $0x2  }
0x79: {  	vm1 =	vmmov vm0  }
.LBB2_11:
0x7a: {  	v5 =	vld.idx.msk [tilespmem:v3+s12+$0x0], $0xffff;
	_ =	sdelay $0x4  }
0x7b: {  	v5 =	vmax.f32 v5, v4  }
0x7c: {  	[tilespmem:v3+s12+$0x0] =	vst.idx.msk vm1, v5  }
0x7d: {  	v5 =	vld.idx.msk [tilespmem:v3+s12+$0x0], $0xffff;
	_ =	sdelay $0x4  }
0x7e: {  	vm2 =	vlt.f32 v5, v4  }
0x7f: {  	vm1 =	vmand vm1, vm2  }
0x80: {  	v5 =	vsel vm1, $0x3F800000, v0  }
0x81: {  	(xrf0) =	vmax.scan.msk.f32 $0xffff, v5;
	_ =	sdelay $0x5  }
0x82: {  	v5, _, _ =	vpop (xrf0)  }
0x83: {  	(v2sf) =	vpush v5, $0xF;
	_ =	sdelay $0xe  }
0x84: {  	s16 =	spop (v2sf)  }
0x85: {  	p1 =	sgt.f32 s16, $0.0e+00  }
.Ltmp13:
0x86: {  	_ = 	snop;
	(pc) =	sbr.rel @p1 .LBB2_11-.Ltmp13, $1  }
0x87: {  	_ =	sdelay $0x3  }
.Ltmp14:
0x88: {  	_ = 	snop;
	(pc) =	sbr.rel .LBB2_12-.Ltmp14, $1  }
0x89: {  	_ =	sdelay $0x3  }
.LBB2_14:
0x8a: {  	_ =	sfence.sel $0x180000  }
0x8b: {  	[bflag:$0x0] =	sbarrier.arrive $0xFFFF  }
0x8c: {  	p0 =	sne.s32 s2, $0x0;
	_ =	strace $0x9000004D  }
0x8d: {  	s0 =	sadd.s32 @!p0 $0x100000, s0;
	[bflag:$0x2] =	sbarrier.arrive $0xFFFF  }
0x8e: {  	[sflag:s0] =	ssyncadd.tile.s32 @!p0 $0x1;
	_ =	shalt  }
.Lfunc_end2:
_tile_overlayer_lowered:
.L_overlay_start_2:
0x8f: {  	(tag) =	ssettag $0x2  }
0x90: {  	s0 =	rddreg [dreg:$0x0];
	s2 =	stileid.u32  }
0x91: {  	s1 =	rddreg [dreg:$0x1];
	p0 =	sne.s32 s2, $0x0  }
0x92: {  	s3 =	rddreg [dreg:$0x2];
	[bflag:$0x3] =	sbarrier.arrive $0xFFFF;
	s2 =	simm.s32 @!p0 $0x1C03  }
0x93: {  	[timem:s3], [sflag:s2] =	dma.local @!p0 [hbm:s0], s1  }
0x94: {  	s0 =	simm.s32 @!p0 $0x3  }
0x95: {  	_ =	swait.ge @!p0 [sflag:s0], s1  }
0x96: {  	s1 =	ssub.s32 @!p0 $0x0, s1;
	[sflag:s0] =	ssyncset.done @!p0 $0x0  }
0x97: {  	[sflag:s0] =	ssyncadd.s32 @!p0 s1  }
0x98: {  	[bflag:$0x3] =	sbarrier.arrive $0xFFFF  }
0x99: {  	_ =	shalt  }

// kernel: kernel.9.cloned.1.call-start
scs
__scs_entry_jumppad:
0x0: {  	(pc) =	sbr.rel $0x88, $3  }
0x1: {  	(tag) =	ssettag $0x0;
	lr =	simm.s32 $0x1  }
0x2: {  	[smem:$0x3F90] =	sst lr;
	_ =	strace $0xD0000000  }
0x3: {  	_ = 	snop  }
0x4: {  	_ = 	snop  }
0x5: {  	_ = 	snop  }
0x6: {  	_ = 	snop  }
0x7: {  	_ = 	snop  }
__scs_overlays_trampoline_lowered:
0x8: {  	[smem:$0x3F9F] =	sst s0  }
0x9: {  	[smem:$0x3FA0] =	sst s1  }
0xa: {  	[smem:$0x3FA1] =	sst s2  }
0xb: {  	[smem:$0x3FA2] =	sst s3  }
0xc: {  	[smem:$0x3FA3] =	sst s4  }
0xd: {  	[smem:$0x3FA4] =	sst s5  }
0xe: {  	[smem:$0x3FA5] =	sst s6  }
0xf: {  	[smem:$0x3FA6] =	sst s7  }
0x10: {  	[smem:$0x3FA7] =	sst s8  }
0x11: {  	[smem:$0x3FA8] =	sst s9;
	s0 =	simm.s32 @!p0 $0x0  }
0x12: {  	s1 =	sld [smem:$0x3F8E];
	s0 =	simm.s32 @p0 $0x1  }
0x13: {  	[smem:$0x3FA9] =	sst s0;
	s0 =	simm.s32 @!p1 $0x0  }
0x14: {  	s2 =	sld [smem:$0x3F8D];
	s0 =	simm.s32 @p1 $0x1  }
0x15: {  	[smem:$0x3FAA] =	sst s0;
	s0 =	simm.s32 @!p2 $0x0  }
0x16: {  	s3 =	sld [smem:$0x3FDB];
	s0 =	simm.s32 @p2 $0x1  }
0x17: {  	s4 =	simm.s32 $0x1BF5;
	[smem:$0x3FAC] =	sst s0  }
0x18: {  	s0 =	sld [smem:$0x3F8F];
	_ =	swait.ge [sflag:s4], $0x0  }
0x19: {  	s7 =	sld [smem:$0x3F90]  }
0x1a: {  	s8 =	sadd.s32 $0xFFFFE003, lr  }
0x1b: {  	s9 =	sadd.s32 $0xFFFFFEF7, lr;
	s5 =	simm.s32 $0xFFFFFFFF;
	p2 =	slt.u32 s8, $0xFFFFF086  }
0x1c: {  	p1 =	slt.u32 s9, $0xF7A;
	s5 =	simm.s32 @!p2 $0x0  }
0x1d: {  	s5 =	simm.s32 @p1 $0x1;
	p0 =	seq.s32 s7, s2  }
0x1e: {  	s7 =	smul.u32 @!p0 $0xF7A, s2;
	p2 =	seq.s32 @!p0 s5, $0x0  }
0x1f: {  	s9 =	smul.u32 $0xF7A, s1;
	s8 =	simm.s32 @!p0 $0x1BF5;
	p2 =	por !p2, p0  }
0x20: {  	[sflag:s8] =	ssyncset.s32 @!p0 $0xFFFFF086;
	s6 =	sadd.s32 @!p0 s3, s7;
	s7 =	simm.s32 @!p0 $0x108  }
0x21: {  	s3 =	sadd.s32 s3, s9;
	s6 =	sadd.s32 @!p0 $0x88, s6;
	s7 =	simm.s32 @p2 $0x1082  }
0x22: {  	[simem:s7], [sflag:s8] =	dma.local @!p0 [hbm:s6], $0xF7A  }
0x23: {  	s9 =	sor.u32 $0xD0000000, s2;
	s6 =	simm.s32 $0x108;
	_ =	swait.ge @!p0 [sflag:s8], $0x0  }
0x24: {  	s3 =	sadd.s32 $0x88, s3;
	s6 =	simm.s32 @!p1 $0x1082;
	[sflag:s4] =	ssyncset.s32 $0xFFFFF086  }
0x25: {  	[simem:s6], [sflag:s4] =	dma.local [hbm:s3], $0xF7A  }
0x26: {  	[smem:$0x3F90] =	sst s1;
	(tag) =	ssettag s2;
	_ =	strace s9  }
0x27: {  	s1 =	sld [smem:$0x3FA0]  }
0x28: {  	s2 =	sld [smem:$0x3FA1]  }
0x29: {  	s4 =	sld [smem:$0x3FA3]  }
0x2a: {  	p0 =	seq.s32 s5, $0x0;
	s5 =	sld [smem:$0x3FA4]  }
0x2b: {  	s6 =	sld [smem:$0x3FA5]  }
0x2c: {  	s7 =	sld [smem:$0x3FA6]  }
0x2d: {  	s3 =	simm.s32 $0x108;
	s8 =	sld [smem:$0x3FA7]  }
0x2e: {  	s3 =	simm.s32 @!p0 $0x1082;
	s9 =	sld [smem:$0x3FA8]  }
0x2f: {  	lr =	sadd.s32 s0, s3;
	s0 =	sld [smem:$0x3F9F]  }
0x30: {  	s3 =	sld [smem:$0x3FA2]  }
0x31: {  	[smem:$0x3FAB] =	sst s10  }
0x32: {  	s10 =	sld [smem:$0x3FA9];
	_ =	sdelay $0x3  }
0x33: {  	p0 =	seq.s32 s10, $0x1;
	s10 =	sld [smem:$0x3FAB];
	_ =	sdelay $0x3  }
0x34: {  	[smem:$0x3FAB] =	sst s10  }
0x35: {  	s10 =	sld [smem:$0x3FAA];
	_ =	sdelay $0x3  }
0x36: {  	p1 =	seq.s32 s10, $0x1;
	s10 =	sld [smem:$0x3FAB];
	_ =	sdelay $0x3  }
0x37: {  	[smem:$0x3FAB] =	sst s10  }
0x38: {  	s10 =	sld [smem:$0x3FAC]  }
0x39: {  	_ = 	snop;
	(pc) =	sbr.ind lr, $3  }
0x3a: {  	_ = 	snop  }
0x3b: {  	_ = 	snop  }
0x3c: {  	p2 =	seq.s32 s10, $0x1;
	s10 =	sld [smem:$0x3FAB]  }
0x3d: {  	_ =	shalt  }
0x3e: {  	_ =	shalt  }
0x3f: {  	_ =	shalt  }
0x40: {  	_ =	shalt  }
0x41: {  	_ =	shalt  }
0x42: {  	_ =	shalt  }
0x43: {  	_ =	shalt  }
0x44: {  	_ =	shalt  }
0x45: {  	_ =	shalt  }
0x46: {  	_ =	shalt  }
0x47: {  	_ =	shalt  }
0x48: {  	_ =	shalt  }
0x49: {  	_ =	shalt  }
0x4a: {  	_ =	shalt  }
0x4b: {  	_ =	shalt  }
0x4c: {  	_ =	shalt  }
0x4d: {  	_ =	shalt  }
0x4e: {  	_ =	shalt  }
0x4f: {  	_ =	shalt  }
0x50: {  	_ =	shalt  }
0x51: {  	_ =	shalt  }
0x52: {  	_ =	shalt  }
0x53: {  	_ =	shalt  }
0x54: {  	_ =	shalt  }
0x55: {  	_ =	shalt  }
0x56: {  	_ =	shalt  }
0x57: {  	_ =	shalt  }
0x58: {  	_ =	shalt  }
0x59: {  	_ =	shalt  }
0x5a: {  	_ =	shalt  }
0x5b: {  	_ =	shalt  }
0x5c: {  	_ =	shalt  }
0x5d: {  	_ =	shalt  }
0x5e: {  	_ =	shalt  }
0x5f: {  	_ =	shalt  }
0x60: {  	_ =	shalt  }
0x61: {  	_ =	shalt  }
0x62: {  	_ =	shalt  }
0x63: {  	_ =	shalt  }
0x64: {  	_ =	shalt  }
0x65: {  	_ =	shalt  }
0x66: {  	_ =	shalt  }
0x67: {  	_ =	shalt  }
0x68: {  	_ =	shalt  }
0x69: {  	_ =	shalt  }
0x6a: {  	_ =	shalt  }
0x6b: {  	_ =	shalt  }
0x6c: {  	_ =	shalt  }
0x6d: {  	_ =	shalt  }
0x6e: {  	_ =	shalt  }
0x6f: {  	_ =	shalt  }
0x70: {  	_ =	shalt  }
0x71: {  	_ =	shalt  }
0x72: {  	_ =	shalt  }
0x73: {  	_ =	shalt  }
0x74: {  	_ =	shalt  }
0x75: {  	_ =	shalt  }
0x76: {  	_ =	shalt  }
0x77: {  	_ =	shalt  }
0x78: {  	_ =	shalt  }
0x79: {  	_ =	shalt  }
0x7a: {  	_ =	shalt  }
0x7b: {  	_ =	shalt  }
0x7c: {  	_ =	shalt  }
0x7d: {  	_ =	shalt  }
0x7e: {  	_ =	shalt  }
0x7f: {  	_ =	shalt  }
0x80: {  	_ =	shalt  }
0x81: {  	_ =	shalt  }
0x82: {  	_ =	shalt  }
0x83: {  	_ =	shalt  }
0x84: {  	_ =	shalt  }
0x85: {  	_ =	shalt  }
0x86: {  	_ =	shalt  }
0x87: {  	_ =	shalt  }
.Lfunc_end0:
.L_simem_size_0:
called_computation_lowered:
.L_overlay_start_0:
0x88: {  	s2 =	sld [smem:$0x3FD9]  }
0x89: {  	s3 =	sld [smem:$0x3FFE];
	_ =	sdelay $0x1  }
0x8a: {  	s1 =	srdreg.scid  }
0x8b: {  	s0 =	sand.u32 $0x1, s1  }
0x8c: {  	s16 =	sshll.u32 s0, $0xA;
	s2 =	sadd.s32 s3, s2  }
0x8d: {  	s2 =	sadd.s32 s2, s16  }
0x8e: {  	[smem:$0x3FB7] =	sst s2  }
0x8f: {  	_ = 	snop  }
0x90: {  	(tm) =	ssettm $0x1  }
0x91: {  	s17 =	sld [smem:$0x3FFB];
	_ =	sdelay $0x3  }
0x92: {  	_ =	strace s17  }
0x93: {  	s2 =	sld [smem:$0x3FFC];
	_ =	sdelay $0x3  }
0x94: {  	_ =	strace s2  }
0x95: {  	s2 =	sld [smem:$0x3FFD];
	_ =	sdelay $0x3  }
0x96: {  	_ =	strace s2  }
0x97: {  	_ =	strace $0x8FFFFFFF  }
0x98: {  	s18 =	sld [smem:$0x3FDB];
	_ =	sdelay $0x1  }
0x99: {  	s19 =	simm.s32 $_scs_section_size  }
0x9a: {  	s4 =	simm.s32 $_size__tile_overlayer_lowered;
	s5 =	simm.s32 $_tile_overlayer_lowered  }
0x9b: {  	s22 =	simm.s32 $0x1BFF;
	s21 =	sshll.u32 s5, $0x1;
	s2 =	sadd.s32 s19, s18  }
0x9c: {  	s6 =	simm.s32 $0x0;
	s20 =	sshll.u32 s4, $0x1;
	s4 =	sadd.s32 s21, s2  }
0x9d: {  	[timem:s6], [sflag:s22] =	dma.local [hbm:s4], s20  }
0x9e: {  	_ =	swait.ge [sflag:s22], s20  }
0x9f: {  	s3 =	ssub.s32 $0x0, s20;
	[sflag:s22] =	ssyncset.done $0x0  }
0xa0: {  	[sflag:s22] =	ssyncadd.s32 s3;
	_ =	sdelay $0x1  }
0xa1: {  	s23 =	simm.s32 $0x1B8B  }
0xa2: {  	_ =	swait.ge [sflag:s23], $0x1  }
0xa3: {  	[sflag:s23] =	ssyncset.done $0x0  }
0xa4: {  	s25 =	simm.s32 $0x1B8E;
	s24 =	sld [smem:$0x3FFE];
	[sflag:s23] =	ssyncadd.s32 $0xFFFFFFFF  }
0xa5: {  	s26 =	simm.s32 $execute0_lowered;
	[smem:$0x3FD2] =	sst s25  }
0xa6: {  	s4 =	sshll.u32 s26, $0x1;
	_ =	strace $0x80000046;
	[dreg:$0x1] =	wrdreg $0xFFFFFFFF  }
0xa7: {  	s28 =	simm.s32 $_size_execute0_lowered;
	s2 =	sadd.s32 s2, s4;
	[dreg:$0x0] =	wrdreg $0x0  }
0xa8: {  	s4 =	sshll.u32 s28, $0x1;
	[dreg:$0x2] =	wrdreg s2  }
0xa9: {  	[dreg:$0x3] =	wrdreg s4  }
0xaa: {  	[dreg:$0x4] =	wrdreg $0xC0  }
0xab: {  	_ =	task [dreg:s6], $0x5FFFF  }
0xac: {  	[dreg:$0x1] =	wrdreg $0xFFFFFFFF  }
0xad: {  	[dreg:$0x0] =	wrdreg $0x60  }
0xae: {  	[dreg:$0x2] =	wrdreg s24  }
0xaf: {  	[dreg:$0x3] =	wrdreg $0x9  }
0xb0: {  	_ =	task.clear_ibuf [dreg:s6], $0x4FFFF;
	_ =	strace $0x90000046  }
0xb1: {  	s29 =	simm.s32 $0x9;
	_ =	strace $0x80000048  }
0xb2: {  	_ =	swait.ge [sflag:s29], $0x1  }
0xb3: {  	[sflag:s29] =	ssyncadd.s32 $0xFFFFFFFF  }
0xb4: {  	_ =	strace $0x90000048  }
0xb5: {  	_ =	sfence  }
0xb6: {  	s30 =	sld [smem:$0x0];
	_ =	sdelay $0x2  }
0xb7: {  	s31 =	sshll.u32 s1, $0xD;
	s1 =	sshrl.u32 s1, $0x2  }
0xb8: {  	s3 =	sand.u32 $0x4000, s31;
	s1 =	sadd.s32 s1, s30  }
0xb9: {  	s0 =	sor.u32 s3, s0;
	s1 =	sshll.u32 s1, $0x11  }
0xba: {  	s0 =	sor.u32 s1, s0  }
0xbb: {  	s0 =	sadd.s32 $0x8F2B, s0  }
0xbc: {  	[sflag:s0] =	ssyncadd.remote.s32 $0x1  }
0xbd: {  	_ =	sfence.sel $0xFFFF  }
0xbe: {  	[dreg:$0x0] =	wrdreg $0xFFFFFFFF;
	(pc) =	sbr.abs _section_cstart, $3  }
0xbf: {  	[dreg:$0x1] =	wrdreg $0xFFFFFFFF  }
0xc0: {  	_ =	task.clear_ibuf [dreg:s6], $0x2FFFF;
	_ =	strace $0x9FFFFFFF  }
0xc1: {  	(tm) =	ssettm $0x7FFFFFFF  }
tec
execute0_lowered:
.L_overlay_start_1:
0x0: {  	(tag) =	ssettag $0x1  }
0x1: {  	s5 =	rddreg [dreg:$0x0];
	s1 =	simm.s32 $0x0  }
0x2: {  	[smem:$0x7FF] =	sst s1  }
0x3: {  	s0 =	rddreg [dreg:$0x1];
	v0 =	vimm.f32 $1.000000000e+00;
	_ =	strace $0x80000047  }
0x4: {  	(xrf0) =	vmax.scan.msk.f32 $0xffff, v0;
	_ =	sdelay $0x5  }
0x5: {  	v0, _, _ =	vpop (xrf0)  }
0x6: {  	(v2sf) =	vpush v0, $0xF;
	_ =	sdelay $0x7  }
0x7: {  	s3 =	srdreg.scid;
	s2 =	stileid.u32  }
0x8: {  	s4 =	sand.u32 $0x1, s3;
	s30 =	sshll.u32 s2, $0x1  }
0x9: {  	s8 =	simm.s32 $0x3;
	s3 =	sor.u32 s4, s30  }
0xa: {  	s9 =	simm.s32 $0x13880;
	s10 =	simm.s32 $0x157C0;
	s6 =	smul.u32 $0x1388, s3  }
.Ltmp0:
0xb: {  	s11 =	simm.s32 $0x17700;
	s7 =	ssub.s32 $0x2, s4;
	(pc) =	sbr.rel .LBB2_1-.Ltmp0, $4  }
0xc: {  	s12 =	simm.s32 $0x9C40;
	s4 =	sadd.s32 $0x2600, s5;
	s31 =	sshrl.u32 s7, $0x1  }
0xd: {  	s3 =	sadd.s32 $0xC400, s5;
	s7 =	ssub.s32 s7, s31;
	s6 =	sadd.s32 s6, s5  }
0xe: {  	s7 =	smax.u32 s7, $0x1;
	s5 =	sadd.s32 $0x16200, s6;
	s13 =	spop (v2sf)  }
0xf: {  	v1 =	vlaneseq.u32;
	vm0 =	vmmov $0xffff;
	s6 =	sadd.s32 $0x3D400, s6;
	v0 =	vimm.f32 $0.0e+00;
	p0 =	sgt.f32 s13, $0.0e+00;
	s13 =	simm.s32 $0x0  }
.LBB2_13:
0x10: {  	s13 =	sadd.s32 $0x1, s13  }
0x11: {  	p1 =	sne.s32 s13, s7  }
.Ltmp1:
0x12: {  	_ = 	snop;
	(pc) =	sbr.rel @!p1 .LBB2_14-.Ltmp1, $4  }
0x13: {  	[hbm4b:s6+s1] =	stream.linear.scatter [tilespmem:s12], [sflag:$0x3], $0x9C40, $0x38;
	[tilespmem:$0x19E10] =	vst v63  }
0x14: {  	_ =	swait.ge [sflag:s8], $0x9C40  }
0x15: {  	[sflag:s8] =	ssyncset.done $0x0  }
0x16: {  	[sflag:s8] =	ssyncadd.s32 $0xFFFF63C0  }
.LBB2_1:
0x17: {  	[tilespmem:s1], [sflag:$0x3] =	stream.linear.gather [hbm4b:s5+s1], $0x9C40, $0x38;
	[tilespmem:$0x19E10] =	vst v63  }
0x18: {  	_ =	swait.ge [sflag:s8], $0x9C40  }
0x19: {  	[sflag:s8] =	ssyncset.done $0x0  }
0x1a: {  	s14 =	simm.s32 $0x9C60;
	[sflag:s8] =	ssyncadd.s32 $0xFFFF63C0  }
0x1b: {  	[tilespmem:s14+$0xFFFFFFE0] =	vst v0  }
0x1c: {  	[tilespmem:s14+$0x10] =	vst v0  }
0x1d: {  	s15 =	simm.s32 $0x0;
	[tilespmem:s14+$0x0] =	vst v0  }
.LBB2_2:
0x1e: {  	s15 =	sadd.s32 $0x4, s15  }
0x1f: {  	[tilespmem:s14+$0xFFFFFFF0] =	vst v0;
	s14 =	sadd.s32 $0x40, s14;
	p1 =	slt.u32 s15, $0x9C0  }
.Ltmp2:
0x20: {  	[tilespmem:s14+$0xFFFFFFE0] =	vst v0;
	(pc) =	sbr.rel @p1 .LBB2_2-.Ltmp2, $3  }
0x21: {  	_ =	sdelay $0x1  }
0x22: {  	[tilespmem:s14+$0x10] =	vst v0  }
0x23: {  	[tilespmem:s14+$0x0] =	vst v0  }
.Ltmp3:
0x24: {  	(pc) =	sbr.rel .LBB2_5-.Ltmp3, $4  }
0x25: {  	[tilespmem:s14+$0xFFFFFFF0] =	vst v0;
	s14 =	simm.s32 $0x0  }
0x26: {  	[tilespmem:s9], [sflag:$0x1] =	stream.linear.gather [hbm4b:s3+s14], $0xFA0, $0x38;
	[tilespmem:$0x19E10] =	vst v63  }
0x27: {  	_ = 	snop  }
0x28: {  	[tilespmem:s10], [sflag:$0x1] =	stream.linear.gather [hbm4b:s4+s14], $0xFA0, $0x38;
	[tilespmem:$0x19E10] =	vst v63  }
.LBB2_4:
0x29: {  	p1 =	seq.s32 s14, $0x50  }
.Ltmp4:
0x2a: {  	_ = 	snop;
	(pc) =	sbr.rel @p1 .LBB2_13-.Ltmp4, $1  }
0x2b: {  	_ =	sdelay $0x3  }
.LBB2_5:
0x2c: {  	s15 =	sand.u32 $0x1, s14;
	p1 =	seq.s32 s14, $0x4F;
	s14 =	sadd.s32 $0x1, s14  }
0x2d: {  	s16 =	sxor.u32 @!p1 $0x1, s15;
	s18 =	smul.u32 @!p1 $0x1F4, s14  }
0x2e: {  	s17 =	smul.u32 @!p1 $0xFA0, s16  }
0x2f: {  	s21 =	simm.s32 @!p1 $0x0  }
0x30: {  	s16 =	sadd.s32 @!p1 $0x1, s16;
	s20 =	sadd.s32 @!p1 s3, s18;
	s19 =	sadd.s32 @!p1 $0x13880, s17  }
0x31: {  	[tilespmem:s19], [sflag:s16] =	stream.linear.gather @!p1 [hbm4b:s20+s21], $0xFA0, $0x38;
	[tilespmem:$0x19E10] =	vst v63  }
0x32: {  	s31 =	sadd.s32 $0x1, s15;
	s18 =	sadd.s32 @!p1 s4, s18;
	s17 =	sadd.s32 @!p1 $0x157C0, s17  }
0x33: {  	[tilespmem:s17], [sflag:s16] =	stream.linear.gather @!p1 [hbm4b:s18+s21], $0xFA0, $0x38;
	[tilespmem:$0x19E10] =	vst v63  }
0x34: {  	_ =	swait.ge [sflag:s31], $0xFA0  }
.Ltmp5:
0x35: {  	[sflag:s31] =	ssyncset.done $0x0;
	(pc) =	sbr.rel .LBB2_6-.Ltmp5, $4  }
0x36: {  	[sflag:s31] =	ssyncadd.s32 $0xFFFFF060  }
0x37: {  	s15 =	smul.u32 $0xFA0, s15;
	_ =	swait.ge [sflag:s31], $0xFA0  }
0x38: {  	[sflag:s31] =	ssyncset.done $0x0  }
0x39: {  	v2 =	vmov s15;
	s15 =	simm.s32 $0x0;
	[sflag:s31] =	ssyncadd.s32 $0xFFFFF060  }
.LBB2_16:
0x3a: {  	_ =	sdelay $0x3  }
0x3b: {  	v11 =	vld.idx.msk [tilespmem:v4+s12+$0x0], $0xffff;
	_ =	sdelay $0x4  }
0x3c: {  	v7 =	vmax.f32 v11, v7  }
0x3d: {  	[tilespmem:v4+s12+$0x0] =	vst.idx.msk $0xffff, v7  }
0x3e: {  	v4 =	vld.idx.msk [tilespmem:v10+s12+$0x0], $0xffff;
	_ =	sdelay $0x4  }
0x3f: {  	v4 =	vmax.f32 v4, v6  }
0x40: {  	[tilespmem:v10+s12+$0x0] =	vst.idx.msk $0xffff, v4  }
0x41: {  	v4 =	vld.idx.msk [tilespmem:v9+s12+$0x0], $0xffff;
	_ =	sdelay $0x4  }
0x42: {  	v4 =	vmax.f32 v4, v5  }
0x43: {  	[tilespmem:v9+s12+$0x0] =	vst.idx.msk $0xffff, v4  }
0x44: {  	v4 =	vld.idx.msk [tilespmem:v8+s12+$0x0], $0xffff;
	_ =	sdelay $0x4  }
0x45: {  	v3 =	vmax.f32 v4, v3  }
0x46: {  	[tilespmem:v8+s12+$0x0] =	vst.idx.msk $0xffff, v3  }
.LBB2_12:
0x47: {  	p1 =	slt.u32 s15, $0xF8  }
.Ltmp6:
0x48: {  	_ = 	snop;
	(pc) =	sbr.rel @!p1 .LBB2_4-.Ltmp6, $3  }
0x49: {  	_ =	sdelay $0x1  }
0x4a: {  	s16 =	sadd.s32 $0x2, s15  }
0x4b: {  	s15 =	smov.u32 s16  }
.LBB2_6:
0x4c: {  	_ =	sdelay $0x2  }
0x4d: {  	s16 =	sshll.u32 s15, $0x4  }
0x4e: {  	v3 =	vld.idx.msk [tilespmem:v2+s16+$0x13880 ss:$0x1], $0xffff;
	_ =	sdelay $0x3  }
0x4f: {  	v4 =	vld.idx.msk [tilespmem:v2+s16+$0x157C0 ss:$0x1], $0xffff  }
0x50: {  	v5 =	vadd.s32 $0x2710, v3  }
0x51: {  	v8 =	vadd.s32 $0x4E20, v3  }
0x52: {  	v9 =	vadd.s32 $0x7530, v3;
	_ =	sdelay $0x1  }
0x53: {  	v7 =	vld.idx.msk [tilespmem:v3+s1+$0x0], $0xffff  }
0x54: {  	v6 =	vld.idx.msk [tilespmem:v5+s1+$0x0], $0xffff  }
0x55: {  	v5 =	vld.idx.msk [tilespmem:v8+s1+$0x0], $0xffff  }
0x56: {  	v3 =	vld.idx.msk [tilespmem:v9+s1+$0x0], $0xffff;
	[tilespmem:v4+s11+$0x0] =	vst.idx.msk $0xffff, v1  }
0x57: {  	v8 =	vld.idx.msk [tilespmem:v4+s11+$0x0], $0xffff;
	_ =	sdelay $0x4  }
0x58: {  	vm1 =	veq.s32 v8, v1  }
0x59: {  	v8 =	vsel vm1, $0x3F800000, v0  }
0x5a: {  	(xrf0) =	vmin.scan.msk.f32 $0xffff, v8;
	_ =	sdelay $0x5  }
0x5b: {  	v8, _, _ =	vpop (xrf0)  }
0x5c: {  	(v2sf) =	vpush v8, $0xF;
	_ =	sdelay $0xe  }
0x5d: {  	s17 =	spop (v2sf)  }
0x5e: {  	p1 =	sgt.f32 s17, $0.0e+00  }
.Ltmp7:
0x5f: {  	_ = 	snop;
	(pc) =	sbr.rel @!p1 .LBB2_7-.Ltmp7, $2  }
0x60: {  	_ =	sdelay $0x2  }
0x61: {  	v10 =	vadd.s32 $0x2710, v4;
	v9 =	vadd.s32 $0x4E20, v4;
	v8 =	vadd.s32 $0x7530, v4  }
0x62: {  	_ =	sdelay $0x3  }
0x63: {  	v11 =	vld.idx.msk [tilespmem:v4+s12+$0x0], $0xffff;
	_ =	sdelay $0x4  }
0x64: {  	v7 =	vmax.f32 v11, v7  }
0x65: {  	[tilespmem:v4+s12+$0x0] =	vst.idx.msk $0xffff, v7  }
0x66: {  	v4 =	vld.idx.msk [tilespmem:v10+s12+$0x0], $0xffff;
	_ =	sdelay $0x4  }
0x67: {  	v4 =	vmax.f32 v4, v6  }
0x68: {  	[tilespmem:v10+s12+$0x0] =	vst.idx.msk $0xffff, v4  }
0x69: {  	v4 =	vld.idx.msk [tilespmem:v9+s12+$0x0], $0xffff;
	_ =	sdelay $0x4  }
0x6a: {  	v4 =	vmax.f32 v4, v5  }
0x6b: {  	[tilespmem:v9+s12+$0x0] =	vst.idx.msk $0xffff, v4  }
0x6c: {  	v4 =	vld.idx.msk [tilespmem:v8+s12+$0x0], $0xffff;
	_ =	sdelay $0x1  }
.Ltmp8:
0x6d: {  	_ = 	snop;
	(pc) =	sbr.rel .LBB2_9-.Ltmp8, $3  }
0x6e: {  	_ =	sdelay $0x1  }
0x6f: {  	v3 =	vmax.f32 v4, v3  }
0x70: {  	[tilespmem:v8+s12+$0x0] =	vst.idx.msk $0xffff, v3  }
.LBB2_7:
.Ltmp9:
0x71: {  	(pc) =	sbr.rel @!p0 .LBB2_9-.Ltmp9, $2  }
0x72: {  	_ =	sdelay $0x2  }
0x73: {  	vm1 =	vmmov vm0  }
.LBB2_8:
0x74: {  	v11 =	vld.idx.msk [tilespmem:v4+s12+$0x0], $0xffff;
	_ =	sdelay $0x4  }
0x75: {  	v11 =	vmax.f32 v11, v7  }
0x76: {  	[tilespmem:v4+s12+$0x0] =	vst.idx.msk vm1, v11  }
0x77: {  	v11 =	vld.idx.msk [tilespmem:v10+s12+$0x0], $0xffff;
	_ =	sdelay $0x4  }
0x78: {  	v11 =	vmax.f32 v11, v6  }
0x79: {  	v12 =	vld.idx.msk [tilespmem:v4+s12+$0x0], $0xffff;
	[tilespmem:v10+s12+$0x0] =	vst.idx.msk vm1, v11  }
0x7a: {  	v11 =	vld.idx.msk [tilespmem:v9+s12+$0x0], $0xffff;
	_ =	sdelay $0x4  }
0x7b: {  	v11 =	vmax.f32 v11, v5  }
0x7c: {  	v13 =	vld.idx.msk [tilespmem:v10+s12+$0x0], $0xffff;
	[tilespmem:v9+s12+$0x0] =	vst.idx.msk vm1, v11  }
0x7d: {  	v11 =	vld.idx.msk [tilespmem:v8+s12+$0x0], $0xffff;
	_ =	sdelay $0x4  }
0x7e: {  	v11 =	vmax.f32 v11, v3  }
0x7f: {  	v14 =	vld.idx.msk [tilespmem:v9+s12+$0x0], $0xffff;
	[tilespmem:v8+s12+$0x0] =	vst.idx.msk vm1, v11  }
0x80: {  	v11 =	vld.idx.msk [tilespmem:v8+s12+$0x0], $0xffff;
	_ =	sdelay $0x2  }
0x81: {  	vm2 =	vlt.f32 v12, v7;
	vm3 =	vlt.f32 v13, v6  }
0x82: {  	vm2 =	vmor vm2, vm3;
	vm3 =	vlt.f32 v14, v5  }
0x83: {  	vm2 =	vmor vm2, vm3;
	vm3 =	vlt.f32 v11, v3  }
0x84: {  	vm2 =	vmor vm2, vm3  }
0x85: {  	vm1 =	vmand vm1, vm2  }
0x86: {  	v11 =	vsel vm1, $0x3F800000, v0  }
0x87: {  	(xrf0) =	vmax.scan.msk.f32 $0xffff, v11;
	_ =	sdelay $0x5  }
0x88: {  	v11, _, _ =	vpop (xrf0)  }
0x89: {  	(v2sf) =	vpush v11, $0xF;
	_ =	sdelay $0xe  }
0x8a: {  	s17 =	spop (v2sf)  }
0x8b: {  	p1 =	sgt.f32 s17, $0.0e+00  }
.Ltmp10:
0x8c: {  	_ = 	snop;
	(pc) =	sbr.rel @p1 .LBB2_8-.Ltmp10, $1  }
0x8d: {  	_ =	sdelay $0x3  }
.LBB2_9:
0x8e: {  	_ =	sdelay $0x3  }
0x8f: {  	v3 =	vld.idx.msk [tilespmem:v2+s16+$0x13890 ss:$0x1], $0xffff;
	_ =	sdelay $0x3  }
0x90: {  	v4 =	vld.idx.msk [tilespmem:v2+s16+$0x157D0 ss:$0x1], $0xffff  }
0x91: {  	v5 =	vadd.s32 $0x2710, v3  }
0x92: {  	v8 =	vadd.s32 $0x4E20, v3  }
0x93: {  	v9 =	vadd.s32 $0x7530, v3;
	_ =	sdelay $0x1  }
0x94: {  	v7 =	vld.idx.msk [tilespmem:v3+s1+$0x0], $0xffff  }
0x95: {  	v6 =	vld.idx.msk [tilespmem:v5+s1+$0x0], $0xffff  }
0x96: {  	v5 =	vld.idx.msk [tilespmem:v8+s1+$0x0], $0xffff  }
0x97: {  	v3 =	vld.idx.msk [tilespmem:v9+s1+$0x0], $0xffff;
	[tilespmem:v4+s11+$0x0] =	vst.idx.msk $0xffff, v1  }
0x98: {  	v8 =	vld.idx.msk [tilespmem:v4+s11+$0x0], $0xffff;
	_ =	sdelay $0x4  }
0x99: {  	vm1 =	veq.s32 v8, v1  }
0x9a: {  	v8 =	vsel vm1, $0x3F800000, v0  }
0x9b: {  	(xrf0) =	vmin.scan.msk.f32 $0xffff, v8;
	_ =	sdelay $0x5  }
0x9c: {  	v8, _, _ =	vpop (xrf0)  }
0x9d: {  	(v2sf) =	vpush v8, $0xF;
	_ =	sdelay $0xe  }
0x9e: {  	s31 =	spop (v2sf)  }
0x9f: {  	p1 =	sgt.f32 s31, $0.0e+00  }
.Ltmp11:
0xa0: {  	_ = 	snop;
	(pc) =	sbr.rel @p1 .LBB2_16-.Ltmp11, $2  }
0xa1: {  	_ =	sdelay $0x2  }
0xa2: {  	v10 =	vadd.s32 $0x2710, v4;
	v9 =	vadd.s32 $0x4E20, v4;
	v8 =	vadd.s32 $0x7530, v4  }
.Ltmp12:
0xa3: {  	(pc) =	sbr.rel @!p0 .LBB2_12-.Ltmp12, $2  }
0xa4: {  	_ =	sdelay $0x2  }
0xa5: {  	vm1 =	vmmov vm0  }
.LBB2_11:
0xa6: {  	v11 =	vld.idx.msk [tilespmem:v4+s12+$0x0], $0xffff;
	_ =	sdelay $0x4  }
0xa7: {  	v11 =	vmax.f32 v11, v7  }
0xa8: {  	[tilespmem:v4+s12+$0x0] =	vst.idx.msk vm1, v11  }
0xa9: {  	v11 =	vld.idx.msk [tilespmem:v10+s12+$0x0], $0xffff;
	_ =	sdelay $0x4  }
0xaa: {  	v11 =	vmax.f32 v11, v6  }
0xab: {  	v12 =	vld.idx.msk [tilespmem:v4+s12+$0x0], $0xffff;
	[tilespmem:v10+s12+$0x0] =	vst.idx.msk vm1, v11  }
0xac: {  	v11 =	vld.idx.msk [tilespmem:v9+s12+$0x0], $0xffff;
	_ =	sdelay $0x4  }
0xad: {  	v11 =	vmax.f32 v11, v5  }
0xae: {  	v13 =	vld.idx.msk [tilespmem:v10+s12+$0x0], $0xffff;
	[tilespmem:v9+s12+$0x0] =	vst.idx.msk vm1, v11  }
0xaf: {  	v11 =	vld.idx.msk [tilespmem:v8+s12+$0x0], $0xffff;
	_ =	sdelay $0x4  }
0xb0: {  	v11 =	vmax.f32 v11, v3  }
0xb1: {  	v14 =	vld.idx.msk [tilespmem:v9+s12+$0x0], $0xffff;
	[tilespmem:v8+s12+$0x0] =	vst.idx.msk vm1, v11  }
0xb2: {  	v11 =	vld.idx.msk [tilespmem:v8+s12+$0x0], $0xffff;
	_ =	sdelay $0x2  }
0xb3: {  	vm2 =	vlt.f32 v12, v7;
	vm3 =	vlt.f32 v13, v6  }
0xb4: {  	vm2 =	vmor vm2, vm3;
	vm3 =	vlt.f32 v14, v5  }
0xb5: {  	vm2 =	vmor vm2, vm3;
	vm3 =	vlt.f32 v11, v3  }
0xb6: {  	vm2 =	vmor vm2, vm3  }
0xb7: {  	vm1 =	vmand vm1, vm2  }
0xb8: {  	v11 =	vsel vm1, $0x3F800000, v0  }
0xb9: {  	(xrf0) =	vmax.scan.msk.f32 $0xffff, v11;
	_ =	sdelay $0x5  }
0xba: {  	v11, _, _ =	vpop (xrf0)  }
0xbb: {  	(v2sf) =	vpush v11, $0xF;
	_ =	sdelay $0xe  }
0xbc: {  	s16 =	spop (v2sf)  }
0xbd: {  	p1 =	sgt.f32 s16, $0.0e+00  }
.Ltmp13:
0xbe: {  	_ = 	snop;
	(pc) =	sbr.rel @p1 .LBB2_11-.Ltmp13, $1  }
0xbf: {  	_ =	sdelay $0x3  }
.Ltmp14:
0xc0: {  	_ = 	snop;
	(pc) =	sbr.rel .LBB2_12-.Ltmp14, $1  }
0xc1: {  	_ =	sdelay $0x3  }
.LBB2_14:
0xc2: {  	_ =	sfence.sel $0x180000  }
0xc3: {  	[bflag:$0x0] =	sbarrier.arrive $0xFFFF  }
0xc4: {  	p0 =	sne.s32 s2, $0x0;
	_ =	strace $0x90000047  }
0xc5: {  	s0 =	sadd.s32 @!p0 $0x100000, s0;
	[bflag:$0x2] =	sbarrier.arrive $0xFFFF  }
0xc6: {  	[sflag:s0] =	ssyncadd.tile.s32 @!p0 $0x1;
	_ =	shalt  }
.Lfunc_end2:
_tile_overlayer_lowered:
.L_overlay_start_2:
0xc7: {  	(tag) =	ssettag $0x2  }
0xc8: {  	s0 =	rddreg [dreg:$0x0];
	s2 =	stileid.u32  }
0xc9: {  	s1 =	rddreg [dreg:$0x1];
	p0 =	sne.s32 s2, $0x0  }
0xca: {  	s3 =	rddreg [dreg:$0x2];
	[bflag:$0x3] =	sbarrier.arrive $0xFFFF;
	s2 =	simm.s32 @!p0 $0x1C03  }
0xcb: {  	[timem:s3], [sflag:s2] =	dma.local @!p0 [hbm:s0], s1  }
0xcc: {  	s0 =	simm.s32 @!p0 $0x3  }
0xcd: {  	_ =	swait.ge @!p0 [sflag:s0], s1  }
0xce: {  	s1 =	ssub.s32 @!p0 $0x0, s1;
	[sflag:s0] =	ssyncset.done @!p0 $0x0  }
0xcf: {  	[sflag:s0] =	ssyncadd.s32 @!p0 s1  }
0xd0: {  	[bflag:$0x3] =	sbarrier.arrive $0xFFFF  }
0xd1: {  	_ =	shalt  }

</sc_bundles>
